<compile_context>
chip_gen: v7x
topology: tpu7x:2x2x1
jax: 0.10.2.dev20260603
libtpu: 0.0.44.dev20260713+nightly
codegen_flags: <defaults>
</compile_context>

<pallas_src>
import functools

import jax
import jax.numpy as jnp
from jax import lax
from jax.experimental import pallas as pl
from jax.experimental.pallas import tpu as pltpu
from jax.experimental.pallas import tpu_sc as plsc

_CHUNK = 128
_NBUF = 8
_TBLK = 2048


def _tc_transpose(wt, v):
  c = wt.shape[0]
  grid = (v + _TBLK - 1) // _TBLK

  def body(in_ref, out_ref):
    y = in_ref[...].T.reshape(_TBLK // 4, 4, c)
    for q in range(4):
      out_ref[:, q * c:(q + 1) * c] = y[:, q, :]

  return pl.pallas_call(
      body,
      grid=(grid,),
      in_specs=[pl.BlockSpec((c, _TBLK), lambda g: (0, g))],
      out_specs=pl.BlockSpec((_TBLK // 4, 4 * c), lambda g: (g, 0)),
      out_shape=jax.ShapeDtypeStruct((v // 4, 4 * c), jnp.float32),
  )(wt)


@functools.cache
def _build(n_workers, n_chunks, d, nc):
  assert n_chunks % _NBUF == 0 and n_chunks // _NBUF >= 2
  n_outer = n_chunks // _NBUF
  mesh = plsc.VectorSubcoreMesh(core_axis_name="c", subcore_axis_name="s")

  @functools.partial(
      pl.kernel,
      out_type=jax.ShapeDtypeStruct((n_workers, n_chunks, _CHUNK, d),
                                    jnp.float32),
      mesh=mesh,
      scratch_types=[
          pltpu.VMEM((n_chunks, _CHUNK), jnp.int32),
          pltpu.VMEM((_NBUF, _CHUNK, d), jnp.float32),
          pltpu.SemaphoreType.DMA((_NBUF,)),
      ],
      compiler_params=pltpu.CompilerParams(use_tc_tiling_on_sc=False),
  )
  def gather_kernel(table_hbm, idx_hbm, out_hbm, idx_v, rv, gsem):
    wid = lax.axis_index("s") * nc + lax.axis_index("c")
    pltpu.sync_copy(idx_hbm.at[wid], idx_v)

    def src(j):
      return table_hbm.at[idx_v.at[j]]

    for b in range(_NBUF):
      pltpu.async_copy(src(b), rv.at[b], gsem.at[b])

    def body(o, carry):
      for b in range(_NBUF):
        j = o * _NBUF + b
        pltpu.make_async_copy(src(j), rv.at[b], gsem.at[b]).wait()
        pltpu.sync_copy(rv.at[b], out_hbm.at[wid, j])
        pltpu.async_copy(src(j + _NBUF), rv.at[b], gsem.at[b])
      return carry

    lax.fori_loop(0, n_outer - 1, body, 0)

    for b in range(_NBUF):
      j = (n_outer - 1) * _NBUF + b
      pltpu.make_async_copy(src(j), rv.at[b], gsem.at[b]).wait()
      pltpu.sync_copy(rv.at[b], out_hbm.at[wid, j])

  return gather_kernel


def kernel(x, weights):
  b, f = x.shape
  v, d = weights.shape
  n = b * f
  mesh = plsc.VectorSubcoreMesh(core_axis_name="c", subcore_axis_name="s")
  nw = mesh.num_cores * mesh.num_subcores
  table2 = _tc_transpose(weights.T, v).reshape(4 * (v // 4), d)
  idx = x.reshape(n).astype(jnp.int32)
  pad = (-n) % (nw * _CHUNK)
  if pad:
    idx = jnp.concatenate([idx, jnp.zeros((pad,), jnp.int32)])
  n_chunks = (n + pad) // (nw * _CHUNK)
  idx = idx.reshape(nw, n_chunks, _CHUNK)
  out = _build(nw, n_chunks, d, mesh.num_cores)(table2, idx)
  return out.reshape((n + pad), d)[:n].reshape(b, f, d)

# --- scband reference (transcript-rebuilt; emitter-appended) ---
"""Pipeline reference for scband-my-embedding-61495341744348 (READ-ONLY COPY).

The authoritative reference and input builder live on the scoring server;
editing this copy changes nothing except your own understanding.
"""

import jax, jax.numpy as jnp
import numpy as np

N_EMBEDS = 1000000
EMBED_DIM = 32
BATCH = 16384
N_FIELDS = 26


def setup_inputs(seed: int = 0) -> dict:
    key = jax.random.key(seed)
    k1, k2 = jax.random.split(key)
    x = jax.random.randint(k1, (BATCH, N_FIELDS), 0, N_EMBEDS, dtype=jnp.int64 if jax.config.jax_enable_x64 else jnp.int32)
    weights = jax.random.normal(k2, (N_EMBEDS, EMBED_DIM), dtype=jnp.float32)
    return {"x": x, "weights": weights}


def reference(x, weights):
    # Faithful translation of: return self.weights[x]
    return jnp.take(weights, x, axis=0)

if __name__ == "__main__":
    import jax
    _d = setup_inputs()
    print(jax.jit(kernel)(*tuple(_d.values())))

</pallas_src>

<mosaic_0001>
#map = affine_map<(d0, d1) -> (0, 0)>
#map1 = affine_map<(d0, d1) -> (0, 0, 0)>
#map2 = affine_map<(d0, d1) -> (0, 0, 0, 0)>
module attributes {stable_mosaic.version = 14 : i64} {
  func.func @gather_kernel(%arg0: i32, %arg1: i32, %arg2: memref<1000000x32xf32, #tpu.memory_space<hbm>>, %arg3: memref<32x104x128xi32, #tpu.memory_space<hbm>>, %arg4: memref<32x104x128x32xf32, #tpu.memory_space<hbm>>, %arg5: memref<104x128xi32, #tpu.memory_space<vmem>>, %arg6: memref<8x128x32xf32, #tpu.memory_space<vmem>>, %arg7: memref<8x!tpu.dma_semaphore, #tpu.memory_space<semaphore_mem>>) attributes {dimension_semantics = [#tpu.dimension_semantics<core_parallel>, #tpu.dimension_semantics<subcore_parallel>], iteration_bounds = array<i64: 2, 16>, scalar_prefetch = 0 : i64, scratch_operands = 3 : i64, tpu.core_type = #tpu.core_type<sc_vector_subcore>, window_params = [{transform_indices = #map}, {transform_indices = #map1}, {transform_indices = #map2}]} {
    %mul3A = arith.constant 2 : i32
    %mul3A_0 = arith.muli %arg1, %mul3A : i32
    %add3A = arith.addi %mul3A_0, %arg0 : i32
    "tpu.region"() ({
      %run_scoped3A_259 = tpu.sem_alloc : memref<!tpu.dma_semaphore, #tpu.memory_space<semaphore_mem>>
      %dma_start3A_260 = arith.constant 0 : i32
      %dma_start3A_261 = arith.constant 0 : i32
      %dma_start3A_262 = tpu.memref_slice %arg3[%add3A, %dma_start3A_260, %dma_start3A_261] : memref<32x104x128xi32, #tpu.memory_space<hbm>> -> memref<1x104x128xi32, #tpu.memory_space<hbm>>
      %dma_start3A_263 = tpu.memref_squeeze %dma_start3A_262 : memref<1x104x128xi32, #tpu.memory_space<hbm>> -> memref<104x128xi32, #tpu.memory_space<hbm>>
      %dma_start3A_264 = arith.constant 0 : i32
      %dma_start3A_265 = arith.constant 0 : i32
      %dma_start3A_266 = tpu.memref_slice %arg3[%add3A, %dma_start3A_264, %dma_start3A_265] : memref<32x104x128xi32, #tpu.memory_space<hbm>> -> memref<1x104x128xi32, #tpu.memory_space<hbm>>
      %dma_start3A_267 = tpu.memref_squeeze %dma_start3A_266 : memref<1x104x128xi32, #tpu.memory_space<hbm>> -> memref<104x128xi32, #tpu.memory_space<hbm>>
      tpu.enqueue_dma source(%dma_start3A_267 : memref<104x128xi32, #tpu.memory_space<hbm>>) target(%arg5 : memref<104x128xi32, #tpu.memory_space<vmem>>) target_semaphore(%run_scoped3A_259 : memref<!tpu.dma_semaphore, #tpu.memory_space<semaphore_mem>>)
      %dma_wait3A_268 = arith.constant 0 : i32
      %dma_wait3A_269 = arith.constant 0 : i32
      %dma_wait3A_270 = tpu.memref_slice %arg3[%add3A, %dma_wait3A_268, %dma_wait3A_269] : memref<32x104x128xi32, #tpu.memory_space<hbm>> -> memref<1x104x128xi32, #tpu.memory_space<hbm>>
      %dma_wait3A_271 = tpu.memref_squeeze %dma_wait3A_270 : memref<1x104x128xi32, #tpu.memory_space<hbm>> -> memref<104x128xi32, #tpu.memory_space<hbm>>
      %dma_wait3A_272 = arith.constant 0 : i32
      %dma_wait3A_273 = arith.constant 0 : i32
      %dma_wait3A_274 = tpu.memref_slice %arg3[%add3A, %dma_wait3A_272, %dma_wait3A_273] : memref<32x104x128xi32, #tpu.memory_space<hbm>> -> memref<1x104x128xi32, #tpu.memory_space<hbm>>
      %dma_wait3A_275 = tpu.memref_squeeze %dma_wait3A_274 : memref<1x104x128xi32, #tpu.memory_space<hbm>> -> memref<104x128xi32, #tpu.memory_space<hbm>>
      tpu.wait_dma2 semaphore(%run_scoped3A_259 : memref<!tpu.dma_semaphore, #tpu.memory_space<semaphore_mem>>) src(%dma_wait3A_275 : memref<104x128xi32, #tpu.memory_space<hbm>>) dst(%arg5 : memref<104x128xi32, #tpu.memory_space<vmem>>)
      tpu.yield
    }) : () -> ()
    %dma_start3A = arith.constant 0 : i32
    %dma_start3A_1 = arith.constant 0 : i32
    %dma_start3A_2 = arith.constant 0 : i32
    %dma_start3A_3 = arith.constant 0 : i32
    %dma_start3A_4 = arith.constant 0 : i32
    %dma_start3A_5 = tpu.memref_slice %arg6[%dma_start3A_1, %dma_start3A_3, %dma_start3A_4] : memref<8x128x32xf32, #tpu.memory_space<vmem>> -> memref<1x128x32xf32, #tpu.memory_space<vmem>>
    %dma_start3A_6 = tpu.memref_squeeze %dma_start3A_5 : memref<1x128x32xf32, #tpu.memory_space<vmem>> -> memref<128x32xf32, #tpu.memory_space<vmem>>
    %dma_start3A_7 = arith.constant 0 : i32
    %dma_start3A_8 = tpu.memref_slice %arg5[%dma_start3A, %dma_start3A_7] : memref<104x128xi32, #tpu.memory_space<vmem>> -> memref<1x128xi32, #tpu.memory_space<vmem>>
    %dma_start3A_9 = tpu.memref_squeeze %dma_start3A_8 : memref<1x128xi32, #tpu.memory_space<vmem>> -> memref<128xi32, #tpu.memory_space<vmem>>
    %dma_start3A_10 = arith.constant 0 : i32
    %dma_start3A_11 = arith.constant 0 : i32
    %dma_start3A_12 = tpu.memref_slice %arg2[%dma_start3A_10, %dma_start3A_11] : memref<1000000x32xf32, #tpu.memory_space<hbm>> -> memref<1000000x32xf32, #tpu.memory_space<hbm>>
    %dma_start3A_13 = tpu.memref_slice %arg7[%dma_start3A_2] : memref<8x!tpu.dma_semaphore, #tpu.memory_space<semaphore_mem>> -> memref<1x!tpu.dma_semaphore, #tpu.memory_space<semaphore_mem>>
    %dma_start3A_14 = tpu.memref_squeeze %dma_start3A_13 : memref<1x!tpu.dma_semaphore, #tpu.memory_space<semaphore_mem>> -> memref<!tpu.dma_semaphore, #tpu.memory_space<semaphore_mem>>
    tpu.enqueue_indirect_dma source(%dma_start3A_12 : memref<1000000x32xf32, #tpu.memory_space<hbm>>) target(%dma_start3A_6 : memref<128x32xf32, #tpu.memory_space<vmem>>) offsets(%dma_start3A_9 : memref<128xi32, #tpu.memory_space<vmem>>) semaphore(%dma_start3A_14 : memref<!tpu.dma_semaphore, #tpu.memory_space<semaphore_mem>>)
    %dma_start3A_15 = arith.constant 1 : i32
    %dma_start3A_16 = arith.constant 1 : i32
    %dma_start3A_17 = arith.constant 1 : i32
    %dma_start3A_18 = arith.constant 0 : i32
    %dma_start3A_19 = arith.constant 0 : i32
    %dma_start3A_20 = tpu.memref_slice %arg6[%dma_start3A_16, %dma_start3A_18, %dma_start3A_19] : memref<8x128x32xf32, #tpu.memory_space<vmem>> -> memref<1x128x32xf32, #tpu.memory_space<vmem>>
    %dma_start3A_21 = tpu.memref_squeeze %dma_start3A_20 : memref<1x128x32xf32, #tpu.memory_space<vmem>> -> memref<128x32xf32, #tpu.memory_space<vmem>>
    %dma_start3A_22 = arith.constant 0 : i32
    %dma_start3A_23 = tpu.memref_slice %arg5[%dma_start3A_15, %dma_start3A_22] : memref<104x128xi32, #tpu.memory_space<vmem>> -> memref<1x128xi32, #tpu.memory_space<vmem>>
    %dma_start3A_24 = tpu.memref_squeeze %dma_start3A_23 : memref<1x128xi32, #tpu.memory_space<vmem>> -> memref<128xi32, #tpu.memory_space<vmem>>
    %dma_start3A_25 = arith.constant 0 : i32
    %dma_start3A_26 = arith.constant 0 : i32
    %dma_start3A_27 = tpu.memref_slice %arg2[%dma_start3A_25, %dma_start3A_26] : memref<1000000x32xf32, #tpu.memory_space<hbm>> -> memref<1000000x32xf32, #tpu.memory_space<hbm>>
    %dma_start3A_28 = tpu.memref_slice %arg7[%dma_start3A_17] : memref<8x!tpu.dma_semaphore, #tpu.memory_space<semaphore_mem>> -> memref<1x!tpu.dma_semaphore, #tpu.memory_space<semaphore_mem>>
    %dma_start3A_29 = tpu.memref_squeeze %dma_start3A_28 : memref<1x!tpu.dma_semaphore, #tpu.memory_space<semaphore_mem>> -> memref<!tpu.dma_semaphore, #tpu.memory_space<semaphore_mem>>
    tpu.enqueue_indirect_dma source(%dma_start3A_27 : memref<1000000x32xf32, #tpu.memory_space<hbm>>) target(%dma_start3A_21 : memref<128x32xf32, #tpu.memory_space<vmem>>) offsets(%dma_start3A_24 : memref<128xi32, #tpu.memory_space<vmem>>) semaphore(%dma_start3A_29 : memref<!tpu.dma_semaphore, #tpu.memory_space<semaphore_mem>>)
    %dma_start3A_30 = arith.constant 2 : i32
    %dma_start3A_31 = arith.constant 2 : i32
    %dma_start3A_32 = arith.constant 2 : i32
    %dma_start3A_33 = arith.constant 0 : i32
    %dma_start3A_34 = arith.constant 0 : i32
    %dma_start3A_35 = tpu.memref_slice %arg6[%dma_start3A_31, %dma_start3A_33, %dma_start3A_34] : memref<8x128x32xf32, #tpu.memory_space<vmem>> -> memref<1x128x32xf32, #tpu.memory_space<vmem>>
    %dma_start3A_36 = tpu.memref_squeeze %dma_start3A_35 : memref<1x128x32xf32, #tpu.memory_space<vmem>> -> memref<128x32xf32, #tpu.memory_space<vmem>>
    %dma_start3A_37 = arith.constant 0 : i32
    %dma_start3A_38 = tpu.memref_slice %arg5[%dma_start3A_30, %dma_start3A_37] : memref<104x128xi32, #tpu.memory_space<vmem>> -> memref<1x128xi32, #tpu.memory_space<vmem>>
    %dma_start3A_39 = tpu.memref_squeeze %dma_start3A_38 : memref<1x128xi32, #tpu.memory_space<vmem>> -> memref<128xi32, #tpu.memory_space<vmem>>
    %dma_start3A_40 = arith.constant 0 : i32
    %dma_start3A_41 = arith.constant 0 : i32
    %dma_start3A_42 = tpu.memref_slice %arg2[%dma_start3A_40, %dma_start3A_41] : memref<1000000x32xf32, #tpu.memory_space<hbm>> -> memref<1000000x32xf32, #tpu.memory_space<hbm>>
    %dma_start3A_43 = tpu.memref_slice %arg7[%dma_start3A_32] : memref<8x!tpu.dma_semaphore, #tpu.memory_space<semaphore_mem>> -> memref<1x!tpu.dma_semaphore, #tpu.memory_space<semaphore_mem>>
    %dma_start3A_44 = tpu.memref_squeeze %dma_start3A_43 : memref<1x!tpu.dma_semaphore, #tpu.memory_space<semaphore_mem>> -> memref<!tpu.dma_semaphore, #tpu.memory_space<semaphore_mem>>
    tpu.enqueue_indirect_dma source(%dma_start3A_42 : memref<1000000x32xf32, #tpu.memory_space<hbm>>) target(%dma_start3A_36 : memref<128x32xf32, #tpu.memory_space<vmem>>) offsets(%dma_start3A_39 : memref<128xi32, #tpu.memory_space<vmem>>) semaphore(%dma_start3A_44 : memref<!tpu.dma_semaphore, #tpu.memory_space<semaphore_mem>>)
    %dma_start3A_45 = arith.constant 3 : i32
    %dma_start3A_46 = arith.constant 3 : i32
    %dma_start3A_47 = arith.constant 3 : i32
    %dma_start3A_48 = arith.constant 0 : i32
    %dma_start3A_49 = arith.constant 0 : i32
    %dma_start3A_50 = tpu.memref_slice %arg6[%dma_start3A_46, %dma_start3A_48, %dma_start3A_49] : memref<8x128x32xf32, #tpu.memory_space<vmem>> -> memref<1x128x32xf32, #tpu.memory_space<vmem>>
    %dma_start3A_51 = tpu.memref_squeeze %dma_start3A_50 : memref<1x128x32xf32, #tpu.memory_space<vmem>> -> memref<128x32xf32, #tpu.memory_space<vmem>>
    %dma_start3A_52 = arith.constant 0 : i32
    %dma_start3A_53 = tpu.memref_slice %arg5[%dma_start3A_45, %dma_start3A_52] : memref<104x128xi32, #tpu.memory_space<vmem>> -> memref<1x128xi32, #tpu.memory_space<vmem>>
    %dma_start3A_54 = tpu.memref_squeeze %dma_start3A_53 : memref<1x128xi32, #tpu.memory_space<vmem>> -> memref<128xi32, #tpu.memory_space<vmem>>
    %dma_start3A_55 = arith.constant 0 : i32
    %dma_start3A_56 = arith.constant 0 : i32
    %dma_start3A_57 = tpu.memref_slice %arg2[%dma_start3A_55, %dma_start3A_56] : memref<1000000x32xf32, #tpu.memory_space<hbm>> -> memref<1000000x32xf32, #tpu.memory_space<hbm>>
    %dma_start3A_58 = tpu.memref_slice %arg7[%dma_start3A_47] : memref<8x!tpu.dma_semaphore, #tpu.memory_space<semaphore_mem>> -> memref<1x!tpu.dma_semaphore, #tpu.memory_space<semaphore_mem>>
    %dma_start3A_59 = tpu.memref_squeeze %dma_start3A_58 : memref<1x!tpu.dma_semaphore, #tpu.memory_space<semaphore_mem>> -> memref<!tpu.dma_semaphore, #tpu.memory_space<semaphore_mem>>
    tpu.enqueue_indirect_dma source(%dma_start3A_57 : memref<1000000x32xf32, #tpu.memory_space<hbm>>) target(%dma_start3A_51 : memref<128x32xf32, #tpu.memory_space<vmem>>) offsets(%dma_start3A_54 : memref<128xi32, #tpu.memory_space<vmem>>) semaphore(%dma_start3A_59 : memref<!tpu.dma_semaphore, #tpu.memory_space<semaphore_mem>>)
    %dma_start3A_60 = arith.constant 4 : i32
    %dma_start3A_61 = arith.constant 4 : i32
    %dma_start3A_62 = arith.constant 4 : i32
    %dma_start3A_63 = arith.constant 0 : i32
    %dma_start3A_64 = arith.constant 0 : i32
    %dma_start3A_65 = tpu.memref_slice %arg6[%dma_start3A_61, %dma_start3A_63, %dma_start3A_64] : memref<8x128x32xf32, #tpu.memory_space<vmem>> -> memref<1x128x32xf32, #tpu.memory_space<vmem>>
    %dma_start3A_66 = tpu.memref_squeeze %dma_start3A_65 : memref<1x128x32xf32, #tpu.memory_space<vmem>> -> memref<128x32xf32, #tpu.memory_space<vmem>>
    %dma_start3A_67 = arith.constant 0 : i32
    %dma_start3A_68 = tpu.memref_slice %arg5[%dma_start3A_60, %dma_start3A_67] : memref<104x128xi32, #tpu.memory_space<vmem>> -> memref<1x128xi32, #tpu.memory_space<vmem>>
    %dma_start3A_69 = tpu.memref_squeeze %dma_start3A_68 : memref<1x128xi32, #tpu.memory_space<vmem>> -> memref<128xi32, #tpu.memory_space<vmem>>
    %dma_start3A_70 = arith.constant 0 : i32
    %dma_start3A_71 = arith.constant 0 : i32
    %dma_start3A_72 = tpu.memref_slice %arg2[%dma_start3A_70, %dma_start3A_71] : memref<1000000x32xf32, #tpu.memory_space<hbm>> -> memref<1000000x32xf32, #tpu.memory_space<hbm>>
    %dma_start3A_73 = tpu.memref_slice %arg7[%dma_start3A_62] : memref<8x!tpu.dma_semaphore, #tpu.memory_space<semaphore_mem>> -> memref<1x!tpu.dma_semaphore, #tpu.memory_space<semaphore_mem>>
    %dma_start3A_74 = tpu.memref_squeeze %dma_start3A_73 : memref<1x!tpu.dma_semaphore, #tpu.memory_space<semaphore_mem>> -> memref<!tpu.dma_semaphore, #tpu.memory_space<semaphore_mem>>
    tpu.enqueue_indirect_dma source(%dma_start3A_72 : memref<1000000x32xf32, #tpu.memory_space<hbm>>) target(%dma_start3A_66 : memref<128x32xf32, #tpu.memory_space<vmem>>) offsets(%dma_start3A_69 : memref<128xi32, #tpu.memory_space<vmem>>) semaphore(%dma_start3A_74 : memref<!tpu.dma_semaphore, #tpu.memory_space<semaphore_mem>>)
    %dma_start3A_75 = arith.constant 5 : i32
    %dma_start3A_76 = arith.constant 5 : i32
    %dma_start3A_77 = arith.constant 5 : i32
    %dma_start3A_78 = arith.constant 0 : i32
    %dma_start3A_79 = arith.constant 0 : i32
    %dma_start3A_80 = tpu.memref_slice %arg6[%dma_start3A_76, %dma_start3A_78, %dma_start3A_79] : memref<8x128x32xf32, #tpu.memory_space<vmem>> -> memref<1x128x32xf32, #tpu.memory_space<vmem>>
    %dma_start3A_81 = tpu.memref_squeeze %dma_start3A_80 : memref<1x128x32xf32, #tpu.memory_space<vmem>> -> memref<128x32xf32, #tpu.memory_space<vmem>>
    %dma_start3A_82 = arith.constant 0 : i32
    %dma_start3A_83 = tpu.memref_slice %arg5[%dma_start3A_75, %dma_start3A_82] : memref<104x128xi32, #tpu.memory_space<vmem>> -> memref<1x128xi32, #tpu.memory_space<vmem>>
    %dma_start3A_84 = tpu.memref_squeeze %dma_start3A_83 : memref<1x128xi32, #tpu.memory_space<vmem>> -> memref<128xi32, #tpu.memory_space<vmem>>
    %dma_start3A_85 = arith.constant 0 : i32
    %dma_start3A_86 = arith.constant 0 : i32
    %dma_start3A_87 = tpu.memref_slice %arg2[%dma_start3A_85, %dma_start3A_86] : memref<1000000x32xf32, #tpu.memory_space<hbm>> -> memref<1000000x32xf32, #tpu.memory_space<hbm>>
    %dma_start3A_88 = tpu.memref_slice %arg7[%dma_start3A_77] : memref<8x!tpu.dma_semaphore, #tpu.memory_space<semaphore_mem>> -> memref<1x!tpu.dma_semaphore, #tpu.memory_space<semaphore_mem>>
    %dma_start3A_89 = tpu.memref_squeeze %dma_start3A_88 : memref<1x!tpu.dma_semaphore, #tpu.memory_space<semaphore_mem>> -> memref<!tpu.dma_semaphore, #tpu.memory_space<semaphore_mem>>
    tpu.enqueue_indirect_dma source(%dma_start3A_87 : memref<1000000x32xf32, #tpu.memory_space<hbm>>) target(%dma_start3A_81 : memref<128x32xf32, #tpu.memory_space<vmem>>) offsets(%dma_start3A_84 : memref<128xi32, #tpu.memory_space<vmem>>) semaphore(%dma_start3A_89 : memref<!tpu.dma_semaphore, #tpu.memory_space<semaphore_mem>>)
    %dma_start3A_90 = arith.constant 6 : i32
    %dma_start3A_91 = arith.constant 6 : i32
    %dma_start3A_92 = arith.constant 6 : i32
    %dma_start3A_93 = arith.constant 0 : i32
    %dma_start3A_94 = arith.constant 0 : i32
    %dma_start3A_95 = tpu.memref_slice %arg6[%dma_start3A_91, %dma_start3A_93, %dma_start3A_94] : memref<8x128x32xf32, #tpu.memory_space<vmem>> -> memref<1x128x32xf32, #tpu.memory_space<vmem>>
    %dma_start3A_96 = tpu.memref_squeeze %dma_start3A_95 : memref<1x128x32xf32, #tpu.memory_space<vmem>> -> memref<128x32xf32, #tpu.memory_space<vmem>>
    %dma_start3A_97 = arith.constant 0 : i32
    %dma_start3A_98 = tpu.memref_slice %arg5[%dma_start3A_90, %dma_start3A_97] : memref<104x128xi32, #tpu.memory_space<vmem>> -> memref<1x128xi32, #tpu.memory_space<vmem>>
    %dma_start3A_99 = tpu.memref_squeeze %dma_start3A_98 : memref<1x128xi32, #tpu.memory_space<vmem>> -> memref<128xi32, #tpu.memory_space<vmem>>
    %dma_start3A_100 = arith.constant 0 : i32
    %dma_start3A_101 = arith.constant 0 : i32
    %dma_start3A_102 = tpu.memref_slice %arg2[%dma_start3A_100, %dma_start3A_101] : memref<1000000x32xf32, #tpu.memory_space<hbm>> -> memref<1000000x32xf32, #tpu.memory_space<hbm>>
    %dma_start3A_103 = tpu.memref_slice %arg7[%dma_start3A_92] : memref<8x!tpu.dma_semaphore, #tpu.memory_space<semaphore_mem>> -> memref<1x!tpu.dma_semaphore, #tpu.memory_space<semaphore_mem>>
    %dma_start3A_104 = tpu.memref_squeeze %dma_start3A_103 : memref<1x!tpu.dma_semaphore, #tpu.memory_space<semaphore_mem>> -> memref<!tpu.dma_semaphore, #tpu.memory_space<semaphore_mem>>
    tpu.enqueue_indirect_dma source(%dma_start3A_102 : memref<1000000x32xf32, #tpu.memory_space<hbm>>) target(%dma_start3A_96 : memref<128x32xf32, #tpu.memory_space<vmem>>) offsets(%dma_start3A_99 : memref<128xi32, #tpu.memory_space<vmem>>) semaphore(%dma_start3A_104 : memref<!tpu.dma_semaphore, #tpu.memory_space<semaphore_mem>>)
    %dma_start3A_105 = arith.constant 7 : i32
    %dma_start3A_106 = arith.constant 7 : i32
    %dma_start3A_107 = arith.constant 7 : i32
    %dma_start3A_108 = arith.constant 0 : i32
    %dma_start3A_109 = arith.constant 0 : i32
    %dma_start3A_110 = tpu.memref_slice %arg6[%dma_start3A_106, %dma_start3A_108, %dma_start3A_109] : memref<8x128x32xf32, #tpu.memory_space<vmem>> -> memref<1x128x32xf32, #tpu.memory_space<vmem>>
    %dma_start3A_111 = tpu.memref_squeeze %dma_start3A_110 : memref<1x128x32xf32, #tpu.memory_space<vmem>> -> memref<128x32xf32, #tpu.memory_space<vmem>>
    %dma_start3A_112 = arith.constant 0 : i32
    %dma_start3A_113 = tpu.memref_slice %arg5[%dma_start3A_105, %dma_start3A_112] : memref<104x128xi32, #tpu.memory_space<vmem>> -> memref<1x128xi32, #tpu.memory_space<vmem>>
    %dma_start3A_114 = tpu.memref_squeeze %dma_start3A_113 : memref<1x128xi32, #tpu.memory_space<vmem>> -> memref<128xi32, #tpu.memory_space<vmem>>
    %dma_start3A_115 = arith.constant 0 : i32
    %dma_start3A_116 = arith.constant 0 : i32
    %dma_start3A_117 = tpu.memref_slice %arg2[%dma_start3A_115, %dma_start3A_116] : memref<1000000x32xf32, #tpu.memory_space<hbm>> -> memref<1000000x32xf32, #tpu.memory_space<hbm>>
    %dma_start3A_118 = tpu.memref_slice %arg7[%dma_start3A_107] : memref<8x!tpu.dma_semaphore, #tpu.memory_space<semaphore_mem>> -> memref<1x!tpu.dma_semaphore, #tpu.memory_space<semaphore_mem>>
    %dma_start3A_119 = tpu.memref_squeeze %dma_start3A_118 : memref<1x!tpu.dma_semaphore, #tpu.memory_space<semaphore_mem>> -> memref<!tpu.dma_semaphore, #tpu.memory_space<semaphore_mem>>
    tpu.enqueue_indirect_dma source(%dma_start3A_117 : memref<1000000x32xf32, #tpu.memory_space<hbm>>) target(%dma_start3A_111 : memref<128x32xf32, #tpu.memory_space<vmem>>) offsets(%dma_start3A_114 : memref<128xi32, #tpu.memory_space<vmem>>) semaphore(%dma_start3A_119 : memref<!tpu.dma_semaphore, #tpu.memory_space<semaphore_mem>>)
    %scan3A = arith.constant 0 : i32
    %scan3A_120 = arith.constant 0 : i32
    %scan3A_121 = arith.constant 12 : i32
    %scan3A_122 = arith.addi %scan3A_120, %scan3A_121 : i32
    %scan3A_123 = arith.constant 1 : i32
    scf.for %scan3A_259 = %scan3A_120 to %scan3A_122 step %scan3A_123  : i32 {
      %mul3A_260 = arith.constant 8 : i32
      %mul3A_261 = arith.muli %scan3A_259, %mul3A_260 : i32
      %add3A_262 = arith.constant 0 : i32
      %add3A_263 = arith.addi %mul3A_261, %add3A_262 : i32
      %dma_wait3A_264 = arith.constant 0 : i32
      %dma_wait3A_265 = arith.constant 0 : i32
      %dma_wait3A_266 = arith.constant 0 : i32
      %dma_wait3A_267 = arith.constant 0 : i32
      %dma_wait3A_268 = tpu.memref_slice %arg6[%dma_wait3A_264, %dma_wait3A_266, %dma_wait3A_267] : memref<8x128x32xf32, #tpu.memory_space<vmem>> -> memref<1x128x32xf32, #tpu.memory_space<vmem>>
      %dma_wait3A_269 = tpu.memref_squeeze %dma_wait3A_268 : memref<1x128x32xf32, #tpu.memory_space<vmem>> -> memref<128x32xf32, #tpu.memory_space<vmem>>
      %dma_wait3A_270 = arith.constant 0 : i32
      %dma_wait3A_271 = tpu.memref_slice %arg5[%add3A_263, %dma_wait3A_270] : memref<104x128xi32, #tpu.memory_space<vmem>> -> memref<1x128xi32, #tpu.memory_space<vmem>>
      %dma_wait3A_272 = tpu.memref_squeeze %dma_wait3A_271 : memref<1x128xi32, #tpu.memory_space<vmem>> -> memref<128xi32, #tpu.memory_space<vmem>>
      %dma_wait3A_273 = arith.constant 0 : i32
      %dma_wait3A_274 = arith.constant 0 : i32
      %dma_wait3A_275 = tpu.memref_slice %arg2[%dma_wait3A_273, %dma_wait3A_274] : memref<1000000x32xf32, #tpu.memory_space<hbm>> -> memref<1000000x32xf32, #tpu.memory_space<hbm>>
      %dma_wait3A_276 = tpu.memref_slice %arg7[%dma_wait3A_265] : memref<8x!tpu.dma_semaphore, #tpu.memory_space<semaphore_mem>> -> memref<1x!tpu.dma_semaphore, #tpu.memory_space<semaphore_mem>>
      %dma_wait3A_277 = tpu.memref_squeeze %dma_wait3A_276 : memref<1x!tpu.dma_semaphore, #tpu.memory_space<semaphore_mem>> -> memref<!tpu.dma_semaphore, #tpu.memory_space<semaphore_mem>>
      tpu.wait_indirect_dma semaphore(%dma_wait3A_277 : memref<!tpu.dma_semaphore, #tpu.memory_space<semaphore_mem>>) src(%dma_wait3A_275 : memref<1000000x32xf32, #tpu.memory_space<hbm>>) dst(%dma_wait3A_269 : memref<128x32xf32, #tpu.memory_space<vmem>>)
      %run_scoped3A_278 = arith.constant 0 : i32
      "tpu.region"() ({
        %run_scoped3A_540 = tpu.sem_alloc : memref<!tpu.dma_semaphore, #tpu.memory_space<semaphore_mem>>
        %dma_start3A_541 = arith.constant 0 : i32
        %dma_start3A_542 = arith.constant 0 : i32
        %dma_start3A_543 = tpu.memref_slice %arg6[%run_scoped3A_278, %dma_start3A_541, %dma_start3A_542] : memref<8x128x32xf32, #tpu.memory_space<vmem>> -> memref<1x128x32xf32, #tpu.memory_space<vmem>>
        %dma_start3A_544 = tpu.memref_squeeze %dma_start3A_543 : memref<1x128x32xf32, #tpu.memory_space<vmem>> -> memref<128x32xf32, #tpu.memory_space<vmem>>
        %dma_start3A_545 = arith.constant 0 : i32
        %dma_start3A_546 = arith.constant 0 : i32
        %dma_start3A_547 = tpu.memref_slice %arg4[%add3A, %add3A_263, %dma_start3A_545, %dma_start3A_546] : memref<32x104x128x32xf32, #tpu.memory_space<hbm>> -> memref<1x1x128x32xf32, #tpu.memory_space<hbm>>
        %dma_start3A_548 = tpu.memref_squeeze %dma_start3A_547 : memref<1x1x128x32xf32, #tpu.memory_space<hbm>> -> memref<128x32xf32, #tpu.memory_space<hbm>>
        %dma_start3A_549 = arith.constant 0 : i32
        %dma_start3A_550 = arith.constant 0 : i32
        %dma_start3A_551 = tpu.memref_slice %arg4[%add3A, %add3A_263, %dma_start3A_549, %dma_start3A_550] : memref<32x104x128x32xf32, #tpu.memory_space<hbm>> -> memref<1x1x128x32xf32, #tpu.memory_space<hbm>>
        %dma_start3A_552 = tpu.memref_squeeze %dma_start3A_551 : memref<1x1x128x32xf32, #tpu.memory_space<hbm>> -> memref<128x32xf32, #tpu.memory_space<hbm>>
        %dma_start3A_553 = arith.constant 0 : i32
        %dma_start3A_554 = arith.constant 0 : i32
        %dma_start3A_555 = tpu.memref_slice %arg6[%run_scoped3A_278, %dma_start3A_553, %dma_start3A_554] : memref<8x128x32xf32, #tpu.memory_space<vmem>> -> memref<1x128x32xf32, #tpu.memory_space<vmem>>
        %dma_start3A_556 = tpu.memref_squeeze %dma_start3A_555 : memref<1x128x32xf32, #tpu.memory_space<vmem>> -> memref<128x32xf32, #tpu.memory_space<vmem>>
        tpu.enqueue_dma source(%dma_start3A_556 : memref<128x32xf32, #tpu.memory_space<vmem>>) target(%dma_start3A_552 : memref<128x32xf32, #tpu.memory_space<hbm>>) target_semaphore(%run_scoped3A_540 : memref<!tpu.dma_semaphore, #tpu.memory_space<semaphore_mem>>)
        %dma_wait3A_557 = arith.constant 0 : i32
        %dma_wait3A_558 = arith.constant 0 : i32
        %dma_wait3A_559 = tpu.memref_slice %arg6[%run_scoped3A_278, %dma_wait3A_557, %dma_wait3A_558] : memref<8x128x32xf32, #tpu.memory_space<vmem>> -> memref<1x128x32xf32, #tpu.memory_space<vmem>>
        %dma_wait3A_560 = tpu.memref_squeeze %dma_wait3A_559 : memref<1x128x32xf32, #tpu.memory_space<vmem>> -> memref<128x32xf32, #tpu.memory_space<vmem>>
        %dma_wait3A_561 = arith.constant 0 : i32
        %dma_wait3A_562 = arith.constant 0 : i32
        %dma_wait3A_563 = tpu.memref_slice %arg4[%add3A, %add3A_263, %dma_wait3A_561, %dma_wait3A_562] : memref<32x104x128x32xf32, #tpu.memory_space<hbm>> -> memref<1x1x128x32xf32, #tpu.memory_space<hbm>>
        %dma_wait3A_564 = tpu.memref_squeeze %dma_wait3A_563 : memref<1x1x128x32xf32, #tpu.memory_space<hbm>> -> memref<128x32xf32, #tpu.memory_space<hbm>>
        %dma_wait3A_565 = arith.constant 0 : i32
        %dma_wait3A_566 = arith.constant 0 : i32
        %dma_wait3A_567 = tpu.memref_slice %arg4[%add3A, %add3A_263, %dma_wait3A_565, %dma_wait3A_566] : memref<32x104x128x32xf32, #tpu.memory_space<hbm>> -> memref<1x1x128x32xf32, #tpu.memory_space<hbm>>
        %dma_wait3A_568 = tpu.memref_squeeze %dma_wait3A_567 : memref<1x1x128x32xf32, #tpu.memory_space<hbm>> -> memref<128x32xf32, #tpu.memory_space<hbm>>
        %dma_wait3A_569 = arith.constant 0 : i32
        %dma_wait3A_570 = arith.constant 0 : i32
        %dma_wait3A_571 = tpu.memref_slice %arg6[%run_scoped3A_278, %dma_wait3A_569, %dma_wait3A_570] : memref<8x128x32xf32, #tpu.memory_space<vmem>> -> memref<1x128x32xf32, #tpu.memory_space<vmem>>
        %dma_wait3A_572 = tpu.memref_squeeze %dma_wait3A_571 : memref<1x128x32xf32, #tpu.memory_space<vmem>> -> memref<128x32xf32, #tpu.memory_space<vmem>>
        tpu.wait_dma2 semaphore(%run_scoped3A_540 : memref<!tpu.dma_semaphore, #tpu.memory_space<semaphore_mem>>) src(%dma_wait3A_572 : memref<128x32xf32, #tpu.memory_space<vmem>>) dst(%dma_wait3A_568 : memref<128x32xf32, #tpu.memory_space<hbm>>)
        tpu.yield
      }) : () -> ()
      %add3A_279 = arith.constant 8 : i32
      %add3A_280 = arith.addi %add3A_263, %add3A_279 : i32
      %dma_start3A_281 = arith.constant 0 : i32
      %dma_start3A_282 = arith.constant 0 : i32
      %dma_start3A_283 = arith.constant 0 : i32
      %dma_start3A_284 = arith.constant 0 : i32
      %dma_start3A_285 = tpu.memref_slice %arg6[%dma_start3A_281, %dma_start3A_283, %dma_start3A_284] : memref<8x128x32xf32, #tpu.memory_space<vmem>> -> memref<1x128x32xf32, #tpu.memory_space<vmem>>
      %dma_start3A_286 = tpu.memref_squeeze %dma_start3A_285 : memref<1x128x32xf32, #tpu.memory_space<vmem>> -> memref<128x32xf32, #tpu.memory_space<vmem>>
      %dma_start3A_287 = arith.constant 0 : i32
      %dma_start3A_288 = tpu.memref_slice %arg5[%add3A_280, %dma_start3A_287] : memref<104x128xi32, #tpu.memory_space<vmem>> -> memref<1x128xi32, #tpu.memory_space<vmem>>
      %dma_start3A_289 = tpu.memref_squeeze %dma_start3A_288 : memref<1x128xi32, #tpu.memory_space<vmem>> -> memref<128xi32, #tpu.memory_space<vmem>>
      %dma_start3A_290 = arith.constant 0 : i32
      %dma_start3A_291 = arith.constant 0 : i32
      %dma_start3A_292 = tpu.memref_slice %arg2[%dma_start3A_290, %dma_start3A_291] : memref<1000000x32xf32, #tpu.memory_space<hbm>> -> memref<1000000x32xf32, #tpu.memory_space<hbm>>
      %dma_start3A_293 = tpu.memref_slice %arg7[%dma_start3A_282] : memref<8x!tpu.dma_semaphore, #tpu.memory_space<semaphore_mem>> -> memref<1x!tpu.dma_semaphore, #tpu.memory_space<semaphore_mem>>
      %dma_start3A_294 = tpu.memref_squeeze %dma_start3A_293 : memref<1x!tpu.dma_semaphore, #tpu.memory_space<semaphore_mem>> -> memref<!tpu.dma_semaphore, #tpu.memory_space<semaphore_mem>>
      tpu.enqueue_indirect_dma source(%dma_start3A_292 : memref<1000000x32xf32, #tpu.memory_space<hbm>>) target(%dma_start3A_286 : memref<128x32xf32, #tpu.memory_space<vmem>>) offsets(%dma_start3A_289 : memref<128xi32, #tpu.memory_space<vmem>>) semaphore(%dma_start3A_294 : memref<!tpu.dma_semaphore, #tpu.memory_space<semaphore_mem>>)
      %mul3A_295 = arith.constant 8 : i32
      %mul3A_296 = arith.muli %scan3A_259, %mul3A_295 : i32
      %add3A_297 = arith.constant 1 : i32
      %add3A_298 = arith.addi %mul3A_296, %add3A_297 : i32
      %dma_wait3A_299 = arith.constant 1 : i32
      %dma_wait3A_300 = arith.constant 1 : i32
      %dma_wait3A_301 = arith.constant 0 : i32
      %dma_wait3A_302 = arith.constant 0 : i32
      %dma_wait3A_303 = tpu.memref_slice %arg6[%dma_wait3A_299, %dma_wait3A_301, %dma_wait3A_302] : memref<8x128x32xf32, #tpu.memory_space<vmem>> -> memref<1x128x32xf32, #tpu.memory_space<vmem>>
      %dma_wait3A_304 = tpu.memref_squeeze %dma_wait3A_303 : memref<1x128x32xf32, #tpu.memory_space<vmem>> -> memref<128x32xf32, #tpu.memory_space<vmem>>
      %dma_wait3A_305 = arith.constant 0 : i32
      %dma_wait3A_306 = tpu.memref_slice %arg5[%add3A_298, %dma_wait3A_305] : memref<104x128xi32, #tpu.memory_space<vmem>> -> memref<1x128xi32, #tpu.memory_space<vmem>>
      %dma_wait3A_307 = tpu.memref_squeeze %dma_wait3A_306 : memref<1x128xi32, #tpu.memory_space<vmem>> -> memref<128xi32, #tpu.memory_space<vmem>>
      %dma_wait3A_308 = arith.constant 0 : i32
      %dma_wait3A_309 = arith.constant 0 : i32
      %dma_wait3A_310 = tpu.memref_slice %arg2[%dma_wait3A_308, %dma_wait3A_309] : memref<1000000x32xf32, #tpu.memory_space<hbm>> -> memref<1000000x32xf32, #tpu.memory_space<hbm>>
      %dma_wait3A_311 = tpu.memref_slice %arg7[%dma_wait3A_300] : memref<8x!tpu.dma_semaphore, #tpu.memory_space<semaphore_mem>> -> memref<1x!tpu.dma_semaphore, #tpu.memory_space<semaphore_mem>>
      %dma_wait3A_312 = tpu.memref_squeeze %dma_wait3A_311 : memref<1x!tpu.dma_semaphore, #tpu.memory_space<semaphore_mem>> -> memref<!tpu.dma_semaphore, #tpu.memory_space<semaphore_mem>>
      tpu.wait_indirect_dma semaphore(%dma_wait3A_312 : memref<!tpu.dma_semaphore, #tpu.memory_space<semaphore_mem>>) src(%dma_wait3A_310 : memref<1000000x32xf32, #tpu.memory_space<hbm>>) dst(%dma_wait3A_304 : memref<128x32xf32, #tpu.memory_space<vmem>>)
      %run_scoped3A_313 = arith.constant 1 : i32
      "tpu.region"() ({
        %run_scoped3A_540 = tpu.sem_alloc : memref<!tpu.dma_semaphore, #tpu.memory_space<semaphore_mem>>
        %dma_start3A_541 = arith.constant 0 : i32
        %dma_start3A_542 = arith.constant 0 : i32
        %dma_start3A_543 = tpu.memref_slice %arg6[%run_scoped3A_313, %dma_start3A_541, %dma_start3A_542] : memref<8x128x32xf32, #tpu.memory_space<vmem>> -> memref<1x128x32xf32, #tpu.memory_space<vmem>>
        %dma_start3A_544 = tpu.memref_squeeze %dma_start3A_543 : memref<1x128x32xf32, #tpu.memory_space<vmem>> -> memref<128x32xf32, #tpu.memory_space<vmem>>
        %dma_start3A_545 = arith.constant 0 : i32
        %dma_start3A_546 = arith.constant 0 : i32
        %dma_start3A_547 = tpu.memref_slice %arg4[%add3A, %add3A_298, %dma_start3A_545, %dma_start3A_546] : memref<32x104x128x32xf32, #tpu.memory_space<hbm>> -> memref<1x1x128x32xf32, #tpu.memory_space<hbm>>
        %dma_start3A_548 = tpu.memref_squeeze %dma_start3A_547 : memref<1x1x128x32xf32, #tpu.memory_space<hbm>> -> memref<128x32xf32, #tpu.memory_space<hbm>>
        %dma_start3A_549 = arith.constant 0 : i32
        %dma_start3A_550 = arith.constant 0 : i32
        %dma_start3A_551 = tpu.memref_slice %arg4[%add3A, %add3A_298, %dma_start3A_549, %dma_start3A_550] : memref<32x104x128x32xf32, #tpu.memory_space<hbm>> -> memref<1x1x128x32xf32, #tpu.memory_space<hbm>>
        %dma_start3A_552 = tpu.memref_squeeze %dma_start3A_551 : memref<1x1x128x32xf32, #tpu.memory_space<hbm>> -> memref<128x32xf32, #tpu.memory_space<hbm>>
        %dma_start3A_553 = arith.constant 0 : i32
        %dma_start3A_554 = arith.constant 0 : i32
        %dma_start3A_555 = tpu.memref_slice %arg6[%run_scoped3A_313, %dma_start3A_553, %dma_start3A_554] : memref<8x128x32xf32, #tpu.memory_space<vmem>> -> memref<1x128x32xf32, #tpu.memory_space<vmem>>
        %dma_start3A_556 = tpu.memref_squeeze %dma_start3A_555 : memref<1x128x32xf32, #tpu.memory_space<vmem>> -> memref<128x32xf32, #tpu.memory_space<vmem>>
        tpu.enqueue_dma source(%dma_start3A_556 : memref<128x32xf32, #tpu.memory_space<vmem>>) target(%dma_start3A_552 : memref<128x32xf32, #tpu.memory_space<hbm>>) target_semaphore(%run_scoped3A_540 : memref<!tpu.dma_semaphore, #tpu.memory_space<semaphore_mem>>)
        %dma_wait3A_557 = arith.constant 0 : i32
        %dma_wait3A_558 = arith.constant 0 : i32
        %dma_wait3A_559 = tpu.memref_slice %arg6[%run_scoped3A_313, %dma_wait3A_557, %dma_wait3A_558] : memref<8x128x32xf32, #tpu.memory_space<vmem>> -> memref<1x128x32xf32, #tpu.memory_space<vmem>>
        %dma_wait3A_560 = tpu.memref_squeeze %dma_wait3A_559 : memref<1x128x32xf32, #tpu.memory_space<vmem>> -> memref<128x32xf32, #tpu.memory_space<vmem>>
        %dma_wait3A_561 = arith.constant 0 : i32
        %dma_wait3A_562 = arith.constant 0 : i32
        %dma_wait3A_563 = tpu.memref_slice %arg4[%add3A, %add3A_298, %dma_wait3A_561, %dma_wait3A_562] : memref<32x104x128x32xf32, #tpu.memory_space<hbm>> -> memref<1x1x128x32xf32, #tpu.memory_space<hbm>>
        %dma_wait3A_564 = tpu.memref_squeeze %dma_wait3A_563 : memref<1x1x128x32xf32, #tpu.memory_space<hbm>> -> memref<128x32xf32, #tpu.memory_space<hbm>>
        %dma_wait3A_565 = arith.constant 0 : i32
        %dma_wait3A_566 = arith.constant 0 : i32
        %dma_wait3A_567 = tpu.memref_slice %arg4[%add3A, %add3A_298, %dma_wait3A_565, %dma_wait3A_566] : memref<32x104x128x32xf32, #tpu.memory_space<hbm>> -> memref<1x1x128x32xf32, #tpu.memory_space<hbm>>
        %dma_wait3A_568 = tpu.memref_squeeze %dma_wait3A_567 : memref<1x1x128x32xf32, #tpu.memory_space<hbm>> -> memref<128x32xf32, #tpu.memory_space<hbm>>
        %dma_wait3A_569 = arith.constant 0 : i32
        %dma_wait3A_570 = arith.constant 0 : i32
        %dma_wait3A_571 = tpu.memref_slice %arg6[%run_scoped3A_313, %dma_wait3A_569, %dma_wait3A_570] : memref<8x128x32xf32, #tpu.memory_space<vmem>> -> memref<1x128x32xf32, #tpu.memory_space<vmem>>
        %dma_wait3A_572 = tpu.memref_squeeze %dma_wait3A_571 : memref<1x128x32xf32, #tpu.memory_space<vmem>> -> memref<128x32xf32, #tpu.memory_space<vmem>>
        tpu.wait_dma2 semaphore(%run_scoped3A_540 : memref<!tpu.dma_semaphore, #tpu.memory_space<semaphore_mem>>) src(%dma_wait3A_572 : memref<128x32xf32, #tpu.memory_space<vmem>>) dst(%dma_wait3A_568 : memref<128x32xf32, #tpu.memory_space<hbm>>)
        tpu.yield
      }) : () -> ()
      %add3A_314 = arith.constant 8 : i32
      %add3A_315 = arith.addi %add3A_298, %add3A_314 : i32
      %dma_start3A_316 = arith.constant 1 : i32
      %dma_start3A_317 = arith.constant 1 : i32
      %dma_start3A_318 = arith.constant 0 : i32
      %dma_start3A_319 = arith.constant 0 : i32
      %dma_start3A_320 = tpu.memref_slice %arg6[%dma_start3A_316, %dma_start3A_318, %dma_start3A_319] : memref<8x128x32xf32, #tpu.memory_space<vmem>> -> memref<1x128x32xf32, #tpu.memory_space<vmem>>
      %dma_start3A_321 = tpu.memref_squeeze %dma_start3A_320 : memref<1x128x32xf32, #tpu.memory_space<vmem>> -> memref<128x32xf32, #tpu.memory_space<vmem>>
      %dma_start3A_322 = arith.constant 0 : i32
      %dma_start3A_323 = tpu.memref_slice %arg5[%add3A_315, %dma_start3A_322] : memref<104x128xi32, #tpu.memory_space<vmem>> -> memref<1x128xi32, #tpu.memory_space<vmem>>
      %dma_start3A_324 = tpu.memref_squeeze %dma_start3A_323 : memref<1x128xi32, #tpu.memory_space<vmem>> -> memref<128xi32, #tpu.memory_space<vmem>>
      %dma_start3A_325 = arith.constant 0 : i32
      %dma_start3A_326 = arith.constant 0 : i32
      %dma_start3A_327 = tpu.memref_slice %arg2[%dma_start3A_325, %dma_start3A_326] : memref<1000000x32xf32, #tpu.memory_space<hbm>> -> memref<1000000x32xf32, #tpu.memory_space<hbm>>
      %dma_start3A_328 = tpu.memref_slice %arg7[%dma_start3A_317] : memref<8x!tpu.dma_semaphore, #tpu.memory_space<semaphore_mem>> -> memref<1x!tpu.dma_semaphore, #tpu.memory_space<semaphore_mem>>
      %dma_start3A_329 = tpu.memref_squeeze %dma_start3A_328 : memref<1x!tpu.dma_semaphore, #tpu.memory_space<semaphore_mem>> -> memref<!tpu.dma_semaphore, #tpu.memory_space<semaphore_mem>>
      tpu.enqueue_indirect_dma source(%dma_start3A_327 : memref<1000000x32xf32, #tpu.memory_space<hbm>>) target(%dma_start3A_321 : memref<128x32xf32, #tpu.memory_space<vmem>>) offsets(%dma_start3A_324 : memref<128xi32, #tpu.memory_space<vmem>>) semaphore(%dma_start3A_329 : memref<!tpu.dma_semaphore, #tpu.memory_space<semaphore_mem>>)
      %mul3A_330 = arith.constant 8 : i32
      %mul3A_331 = arith.muli %scan3A_259, %mul3A_330 : i32
      %add3A_332 = arith.constant 2 : i32
      %add3A_333 = arith.addi %mul3A_331, %add3A_332 : i32
      %dma_wait3A_334 = arith.constant 2 : i32
      %dma_wait3A_335 = arith.constant 2 : i32
      %dma_wait3A_336 = arith.constant 0 : i32
      %dma_wait3A_337 = arith.constant 0 : i32
      %dma_wait3A_338 = tpu.memref_slice %arg6[%dma_wait3A_334, %dma_wait3A_336, %dma_wait3A_337] : memref<8x128x32xf32, #tpu.memory_space<vmem>> -> memref<1x128x32xf32, #tpu.memory_space<vmem>>
      %dma_wait3A_339 = tpu.memref_squeeze %dma_wait3A_338 : memref<1x128x32xf32, #tpu.memory_space<vmem>> -> memref<128x32xf32, #tpu.memory_space<vmem>>
      %dma_wait3A_340 = arith.constant 0 : i32
      %dma_wait3A_341 = tpu.memref_slice %arg5[%add3A_333, %dma_wait3A_340] : memref<104x128xi32, #tpu.memory_space<vmem>> -> memref<1x128xi32, #tpu.memory_space<vmem>>
      %dma_wait3A_342 = tpu.memref_squeeze %dma_wait3A_341 : memref<1x128xi32, #tpu.memory_space<vmem>> -> memref<128xi32, #tpu.memory_space<vmem>>
      %dma_wait3A_343 = arith.constant 0 : i32
      %dma_wait3A_344 = arith.constant 0 : i32
      %dma_wait3A_345 = tpu.memref_slice %arg2[%dma_wait3A_343, %dma_wait3A_344] : memref<1000000x32xf32, #tpu.memory_space<hbm>> -> memref<1000000x32xf32, #tpu.memory_space<hbm>>
      %dma_wait3A_346 = tpu.memref_slice %arg7[%dma_wait3A_335] : memref<8x!tpu.dma_semaphore, #tpu.memory_space<semaphore_mem>> -> memref<1x!tpu.dma_semaphore, #tpu.memory_space<semaphore_mem>>
      %dma_wait3A_347 = tpu.memref_squeeze %dma_wait3A_346 : memref<1x!tpu.dma_semaphore, #tpu.memory_space<semaphore_mem>> -> memref<!tpu.dma_semaphore, #tpu.memory_space<semaphore_mem>>
      tpu.wait_indirect_dma semaphore(%dma_wait3A_347 : memref<!tpu.dma_semaphore, #tpu.memory_space<semaphore_mem>>) src(%dma_wait3A_345 : memref<1000000x32xf32, #tpu.memory_space<hbm>>) dst(%dma_wait3A_339 : memref<128x32xf32, #tpu.memory_space<vmem>>)
      %run_scoped3A_348 = arith.constant 2 : i32
      "tpu.region"() ({
        %run_scoped3A_540 = tpu.sem_alloc : memref<!tpu.dma_semaphore, #tpu.memory_space<semaphore_mem>>
        %dma_start3A_541 = arith.constant 0 : i32
        %dma_start3A_542 = arith.constant 0 : i32
        %dma_start3A_543 = tpu.memref_slice %arg6[%run_scoped3A_348, %dma_start3A_541, %dma_start3A_542] : memref<8x128x32xf32, #tpu.memory_space<vmem>> -> memref<1x128x32xf32, #tpu.memory_space<vmem>>
        %dma_start3A_544 = tpu.memref_squeeze %dma_start3A_543 : memref<1x128x32xf32, #tpu.memory_space<vmem>> -> memref<128x32xf32, #tpu.memory_space<vmem>>
        %dma_start3A_545 = arith.constant 0 : i32
        %dma_start3A_546 = arith.constant 0 : i32
        %dma_start3A_547 = tpu.memref_slice %arg4[%add3A, %add3A_333, %dma_start3A_545, %dma_start3A_546] : memref<32x104x128x32xf32, #tpu.memory_space<hbm>> -> memref<1x1x128x32xf32, #tpu.memory_space<hbm>>
        %dma_start3A_548 = tpu.memref_squeeze %dma_start3A_547 : memref<1x1x128x32xf32, #tpu.memory_space<hbm>> -> memref<128x32xf32, #tpu.memory_space<hbm>>
        %dma_start3A_549 = arith.constant 0 : i32
        %dma_start3A_550 = arith.constant 0 : i32
        %dma_start3A_551 = tpu.memref_slice %arg4[%add3A, %add3A_333, %dma_start3A_549, %dma_start3A_550] : memref<32x104x128x32xf32, #tpu.memory_space<hbm>> -> memref<1x1x128x32xf32, #tpu.memory_space<hbm>>
        %dma_start3A_552 = tpu.memref_squeeze %dma_start3A_551 : memref<1x1x128x32xf32, #tpu.memory_space<hbm>> -> memref<128x32xf32, #tpu.memory_space<hbm>>
        %dma_start3A_553 = arith.constant 0 : i32
        %dma_start3A_554 = arith.constant 0 : i32
        %dma_start3A_555 = tpu.memref_slice %arg6[%run_scoped3A_348, %dma_start3A_553, %dma_start3A_554] : memref<8x128x32xf32, #tpu.memory_space<vmem>> -> memref<1x128x32xf32, #tpu.memory_space<vmem>>
        %dma_start3A_556 = tpu.memref_squeeze %dma_start3A_555 : memref<1x128x32xf32, #tpu.memory_space<vmem>> -> memref<128x32xf32, #tpu.memory_space<vmem>>
        tpu.enqueue_dma source(%dma_start3A_556 : memref<128x32xf32, #tpu.memory_space<vmem>>) target(%dma_start3A_552 : memref<128x32xf32, #tpu.memory_space<hbm>>) target_semaphore(%run_scoped3A_540 : memref<!tpu.dma_semaphore, #tpu.memory_space<semaphore_mem>>)
        %dma_wait3A_557 = arith.constant 0 : i32
        %dma_wait3A_558 = arith.constant 0 : i32
        %dma_wait3A_559 = tpu.memref_slice %arg6[%run_scoped3A_348, %dma_wait3A_557, %dma_wait3A_558] : memref<8x128x32xf32, #tpu.memory_space<vmem>> -> memref<1x128x32xf32, #tpu.memory_space<vmem>>
        %dma_wait3A_560 = tpu.memref_squeeze %dma_wait3A_559 : memref<1x128x32xf32, #tpu.memory_space<vmem>> -> memref<128x32xf32, #tpu.memory_space<vmem>>
        %dma_wait3A_561 = arith.constant 0 : i32
        %dma_wait3A_562 = arith.constant 0 : i32
        %dma_wait3A_563 = tpu.memref_slice %arg4[%add3A, %add3A_333, %dma_wait3A_561, %dma_wait3A_562] : memref<32x104x128x32xf32, #tpu.memory_space<hbm>> -> memref<1x1x128x32xf32, #tpu.memory_space<hbm>>
        %dma_wait3A_564 = tpu.memref_squeeze %dma_wait3A_563 : memref<1x1x128x32xf32, #tpu.memory_space<hbm>> -> memref<128x32xf32, #tpu.memory_space<hbm>>
        %dma_wait3A_565 = arith.constant 0 : i32
        %dma_wait3A_566 = arith.constant 0 : i32
        %dma_wait3A_567 = tpu.memref_slice %arg4[%add3A, %add3A_333, %dma_wait3A_565, %dma_wait3A_566] : memref<32x104x128x32xf32, #tpu.memory_space<hbm>> -> memref<1x1x128x32xf32, #tpu.memory_space<hbm>>
        %dma_wait3A_568 = tpu.memref_squeeze %dma_wait3A_567 : memref<1x1x128x32xf32, #tpu.memory_space<hbm>> -> memref<128x32xf32, #tpu.memory_space<hbm>>
        %dma_wait3A_569 = arith.constant 0 : i32
        %dma_wait3A_570 = arith.constant 0 : i32
        %dma_wait3A_571 = tpu.memref_slice %arg6[%run_scoped3A_348, %dma_wait3A_569, %dma_wait3A_570] : memref<8x128x32xf32, #tpu.memory_space<vmem>> -> memref<1x128x32xf32, #tpu.memory_space<vmem>>
        %dma_wait3A_572 = tpu.memref_squeeze %dma_wait3A_571 : memref<1x128x32xf32, #tpu.memory_space<vmem>> -> memref<128x32xf32, #tpu.memory_space<vmem>>
        tpu.wait_dma2 semaphore(%run_scoped3A_540 : memref<!tpu.dma_semaphore, #tpu.memory_space<semaphore_mem>>) src(%dma_wait3A_572 : memref<128x32xf32, #tpu.memory_space<vmem>>) dst(%dma_wait3A_568 : memref<128x32xf32, #tpu.memory_space<hbm>>)
        tpu.yield
      }) : () -> ()
      %add3A_349 = arith.constant 8 : i32
      %add3A_350 = arith.addi %add3A_333, %add3A_349 : i32
      %dma_start3A_351 = arith.constant 2 : i32
      %dma_start3A_352 = arith.constant 2 : i32
      %dma_start3A_353 = arith.constant 0 : i32
      %dma_start3A_354 = arith.constant 0 : i32
      %dma_start3A_355 = tpu.memref_slice %arg6[%dma_start3A_351, %dma_start3A_353, %dma_start3A_354] : memref<8x128x32xf32, #tpu.memory_space<vmem>> -> memref<1x128x32xf32, #tpu.memory_space<vmem>>
      %dma_start3A_356 = tpu.memref_squeeze %dma_start3A_355 : memref<1x128x32xf32, #tpu.memory_space<vmem>> -> memref<128x32xf32, #tpu.memory_space<vmem>>
      %dma_start3A_357 = arith.constant 0 : i32
      %dma_start3A_358 = tpu.memref_slice %arg5[%add3A_350, %dma_start3A_357] : memref<104x128xi32, #tpu.memory_space<vmem>> -> memref<1x128xi32, #tpu.memory_space<vmem>>
      %dma_start3A_359 = tpu.memref_squeeze %dma_start3A_358 : memref<1x128xi32, #tpu.memory_space<vmem>> -> memref<128xi32, #tpu.memory_space<vmem>>
      %dma_start3A_360 = arith.constant 0 : i32
      %dma_start3A_361 = arith.constant 0 : i32
      %dma_start3A_362 = tpu.memref_slice %arg2[%dma_start3A_360, %dma_start3A_361] : memref<1000000x32xf32, #tpu.memory_space<hbm>> -> memref<1000000x32xf32, #tpu.memory_space<hbm>>
      %dma_start3A_363 = tpu.memref_slice %arg7[%dma_start3A_352] : memref<8x!tpu.dma_semaphore, #tpu.memory_space<semaphore_mem>> -> memref<1x!tpu.dma_semaphore, #tpu.memory_space<semaphore_mem>>
      %dma_start3A_364 = tpu.memref_squeeze %dma_start3A_363 : memref<1x!tpu.dma_semaphore, #tpu.memory_space<semaphore_mem>> -> memref<!tpu.dma_semaphore, #tpu.memory_space<semaphore_mem>>
      tpu.enqueue_indirect_dma source(%dma_start3A_362 : memref<1000000x32xf32, #tpu.memory_space<hbm>>) target(%dma_start3A_356 : memref<128x32xf32, #tpu.memory_space<vmem>>) offsets(%dma_start3A_359 : memref<128xi32, #tpu.memory_space<vmem>>) semaphore(%dma_start3A_364 : memref<!tpu.dma_semaphore, #tpu.memory_space<semaphore_mem>>)
      %mul3A_365 = arith.constant 8 : i32
      %mul3A_366 = arith.muli %scan3A_259, %mul3A_365 : i32
      %add3A_367 = arith.constant 3 : i32
      %add3A_368 = arith.addi %mul3A_366, %add3A_367 : i32
      %dma_wait3A_369 = arith.constant 3 : i32
      %dma_wait3A_370 = arith.constant 3 : i32
      %dma_wait3A_371 = arith.constant 0 : i32
      %dma_wait3A_372 = arith.constant 0 : i32
      %dma_wait3A_373 = tpu.memref_slice %arg6[%dma_wait3A_369, %dma_wait3A_371, %dma_wait3A_372] : memref<8x128x32xf32, #tpu.memory_space<vmem>> -> memref<1x128x32xf32, #tpu.memory_space<vmem>>
      %dma_wait3A_374 = tpu.memref_squeeze %dma_wait3A_373 : memref<1x128x32xf32, #tpu.memory_space<vmem>> -> memref<128x32xf32, #tpu.memory_space<vmem>>
      %dma_wait3A_375 = arith.constant 0 : i32
      %dma_wait3A_376 = tpu.memref_slice %arg5[%add3A_368, %dma_wait3A_375] : memref<104x128xi32, #tpu.memory_space<vmem>> -> memref<1x128xi32, #tpu.memory_space<vmem>>
      %dma_wait3A_377 = tpu.memref_squeeze %dma_wait3A_376 : memref<1x128xi32, #tpu.memory_space<vmem>> -> memref<128xi32, #tpu.memory_space<vmem>>
      %dma_wait3A_378 = arith.constant 0 : i32
      %dma_wait3A_379 = arith.constant 0 : i32
      %dma_wait3A_380 = tpu.memref_slice %arg2[%dma_wait3A_378, %dma_wait3A_379] : memref<1000000x32xf32, #tpu.memory_space<hbm>> -> memref<1000000x32xf32, #tpu.memory_space<hbm>>
      %dma_wait3A_381 = tpu.memref_slice %arg7[%dma_wait3A_370] : memref<8x!tpu.dma_semaphore, #tpu.memory_space<semaphore_mem>> -> memref<1x!tpu.dma_semaphore, #tpu.memory_space<semaphore_mem>>
      %dma_wait3A_382 = tpu.memref_squeeze %dma_wait3A_381 : memref<1x!tpu.dma_semaphore, #tpu.memory_space<semaphore_mem>> -> memref<!tpu.dma_semaphore, #tpu.memory_space<semaphore_mem>>
      tpu.wait_indirect_dma semaphore(%dma_wait3A_382 : memref<!tpu.dma_semaphore, #tpu.memory_space<semaphore_mem>>) src(%dma_wait3A_380 : memref<1000000x32xf32, #tpu.memory_space<hbm>>) dst(%dma_wait3A_374 : memref<128x32xf32, #tpu.memory_space<vmem>>)
      %run_scoped3A_383 = arith.constant 3 : i32
      "tpu.region"() ({
        %run_scoped3A_540 = tpu.sem_alloc : memref<!tpu.dma_semaphore, #tpu.memory_space<semaphore_mem>>
        %dma_start3A_541 = arith.constant 0 : i32
        %dma_start3A_542 = arith.constant 0 : i32
        %dma_start3A_543 = tpu.memref_slice %arg6[%run_scoped3A_383, %dma_start3A_541, %dma_start3A_542] : memref<8x128x32xf32, #tpu.memory_space<vmem>> -> memref<1x128x32xf32, #tpu.memory_space<vmem>>
        %dma_start3A_544 = tpu.memref_squeeze %dma_start3A_543 : memref<1x128x32xf32, #tpu.memory_space<vmem>> -> memref<128x32xf32, #tpu.memory_space<vmem>>
        %dma_start3A_545 = arith.constant 0 : i32
        %dma_start3A_546 = arith.constant 0 : i32
        %dma_start3A_547 = tpu.memref_slice %arg4[%add3A, %add3A_368, %dma_start3A_545, %dma_start3A_546] : memref<32x104x128x32xf32, #tpu.memory_space<hbm>> -> memref<1x1x128x32xf32, #tpu.memory_space<hbm>>
        %dma_start3A_548 = tpu.memref_squeeze %dma_start3A_547 : memref<1x1x128x32xf32, #tpu.memory_space<hbm>> -> memref<128x32xf32, #tpu.memory_space<hbm>>
        %dma_start3A_549 = arith.constant 0 : i32
        %dma_start3A_550 = arith.constant 0 : i32
        %dma_start3A_551 = tpu.memref_slice %arg4[%add3A, %add3A_368, %dma_start3A_549, %dma_start3A_550] : memref<32x104x128x32xf32, #tpu.memory_space<hbm>> -> memref<1x1x128x32xf32, #tpu.memory_space<hbm>>
        %dma_start3A_552 = tpu.memref_squeeze %dma_start3A_551 : memref<1x1x128x32xf32, #tpu.memory_space<hbm>> -> memref<128x32xf32, #tpu.memory_space<hbm>>
        %dma_start3A_553 = arith.constant 0 : i32
        %dma_start3A_554 = arith.constant 0 : i32
        %dma_start3A_555 = tpu.memref_slice %arg6[%run_scoped3A_383, %dma_start3A_553, %dma_start3A_554] : memref<8x128x32xf32, #tpu.memory_space<vmem>> -> memref<1x128x32xf32, #tpu.memory_space<vmem>>
        %dma_start3A_556 = tpu.memref_squeeze %dma_start3A_555 : memref<1x128x32xf32, #tpu.memory_space<vmem>> -> memref<128x32xf32, #tpu.memory_space<vmem>>
        tpu.enqueue_dma source(%dma_start3A_556 : memref<128x32xf32, #tpu.memory_space<vmem>>) target(%dma_start3A_552 : memref<128x32xf32, #tpu.memory_space<hbm>>) target_semaphore(%run_scoped3A_540 : memref<!tpu.dma_semaphore, #tpu.memory_space<semaphore_mem>>)
        %dma_wait3A_557 = arith.constant 0 : i32
        %dma_wait3A_558 = arith.constant 0 : i32
        %dma_wait3A_559 = tpu.memref_slice %arg6[%run_scoped3A_383, %dma_wait3A_557, %dma_wait3A_558] : memref<8x128x32xf32, #tpu.memory_space<vmem>> -> memref<1x128x32xf32, #tpu.memory_space<vmem>>
        %dma_wait3A_560 = tpu.memref_squeeze %dma_wait3A_559 : memref<1x128x32xf32, #tpu.memory_space<vmem>> -> memref<128x32xf32, #tpu.memory_space<vmem>>
        %dma_wait3A_561 = arith.constant 0 : i32
        %dma_wait3A_562 = arith.constant 0 : i32
        %dma_wait3A_563 = tpu.memref_slice %arg4[%add3A, %add3A_368, %dma_wait3A_561, %dma_wait3A_562] : memref<32x104x128x32xf32, #tpu.memory_space<hbm>> -> memref<1x1x128x32xf32, #tpu.memory_space<hbm>>
        %dma_wait3A_564 = tpu.memref_squeeze %dma_wait3A_563 : memref<1x1x128x32xf32, #tpu.memory_space<hbm>> -> memref<128x32xf32, #tpu.memory_space<hbm>>
        %dma_wait3A_565 = arith.constant 0 : i32
        %dma_wait3A_566 = arith.constant 0 : i32
        %dma_wait3A_567 = tpu.memref_slice %arg4[%add3A, %add3A_368, %dma_wait3A_565, %dma_wait3A_566] : memref<32x104x128x32xf32, #tpu.memory_space<hbm>> -> memref<1x1x128x32xf32, #tpu.memory_space<hbm>>
        %dma_wait3A_568 = tpu.memref_squeeze %dma_wait3A_567 : memref<1x1x128x32xf32, #tpu.memory_space<hbm>> -> memref<128x32xf32, #tpu.memory_space<hbm>>
        %dma_wait3A_569 = arith.constant 0 : i32
        %dma_wait3A_570 = arith.constant 0 : i32
        %dma_wait3A_571 = tpu.memref_slice %arg6[%run_scoped3A_383, %dma_wait3A_569, %dma_wait3A_570] : memref<8x128x32xf32, #tpu.memory_space<vmem>> -> memref<1x128x32xf32, #tpu.memory_space<vmem>>
        %dma_wait3A_572 = tpu.memref_squeeze %dma_wait3A_571 : memref<1x128x32xf32, #tpu.memory_space<vmem>> -> memref<128x32xf32, #tpu.memory_space<vmem>>
        tpu.wait_dma2 semaphore(%run_scoped3A_540 : memref<!tpu.dma_semaphore, #tpu.memory_space<semaphore_mem>>) src(%dma_wait3A_572 : memref<128x32xf32, #tpu.memory_space<vmem>>) dst(%dma_wait3A_568 : memref<128x32xf32, #tpu.memory_space<hbm>>)
        tpu.yield
      }) : () -> ()
      %add3A_384 = arith.constant 8 : i32
      %add3A_385 = arith.addi %add3A_368, %add3A_384 : i32
      %dma_start3A_386 = arith.constant 3 : i32
      %dma_start3A_387 = arith.constant 3 : i32
      %dma_start3A_388 = arith.constant 0 : i32
      %dma_start3A_389 = arith.constant 0 : i32
      %dma_start3A_390 = tpu.memref_slice %arg6[%dma_start3A_386, %dma_start3A_388, %dma_start3A_389] : memref<8x128x32xf32, #tpu.memory_space<vmem>> -> memref<1x128x32xf32, #tpu.memory_space<vmem>>
      %dma_start3A_391 = tpu.memref_squeeze %dma_start3A_390 : memref<1x128x32xf32, #tpu.memory_space<vmem>> -> memref<128x32xf32, #tpu.memory_space<vmem>>
      %dma_start3A_392 = arith.constant 0 : i32
      %dma_start3A_393 = tpu.memref_slice %arg5[%add3A_385, %dma_start3A_392] : memref<104x128xi32, #tpu.memory_space<vmem>> -> memref<1x128xi32, #tpu.memory_space<vmem>>
      %dma_start3A_394 = tpu.memref_squeeze %dma_start3A_393 : memref<1x128xi32, #tpu.memory_space<vmem>> -> memref<128xi32, #tpu.memory_space<vmem>>
      %dma_start3A_395 = arith.constant 0 : i32
      %dma_start3A_396 = arith.constant 0 : i32
      %dma_start3A_397 = tpu.memref_slice %arg2[%dma_start3A_395, %dma_start3A_396] : memref<1000000x32xf32, #tpu.memory_space<hbm>> -> memref<1000000x32xf32, #tpu.memory_space<hbm>>
      %dma_start3A_398 = tpu.memref_slice %arg7[%dma_start3A_387] : memref<8x!tpu.dma_semaphore, #tpu.memory_space<semaphore_mem>> -> memref<1x!tpu.dma_semaphore, #tpu.memory_space<semaphore_mem>>
      %dma_start3A_399 = tpu.memref_squeeze %dma_start3A_398 : memref<1x!tpu.dma_semaphore, #tpu.memory_space<semaphore_mem>> -> memref<!tpu.dma_semaphore, #tpu.memory_space<semaphore_mem>>
      tpu.enqueue_indirect_dma source(%dma_start3A_397 : memref<1000000x32xf32, #tpu.memory_space<hbm>>) target(%dma_start3A_391 : memref<128x32xf32, #tpu.memory_space<vmem>>) offsets(%dma_start3A_394 : memref<128xi32, #tpu.memory_space<vmem>>) semaphore(%dma_start3A_399 : memref<!tpu.dma_semaphore, #tpu.memory_space<semaphore_mem>>)
      %mul3A_400 = arith.constant 8 : i32
      %mul3A_401 = arith.muli %scan3A_259, %mul3A_400 : i32
      %add3A_402 = arith.constant 4 : i32
      %add3A_403 = arith.addi %mul3A_401, %add3A_402 : i32
      %dma_wait3A_404 = arith.constant 4 : i32
      %dma_wait3A_405 = arith.constant 4 : i32
      %dma_wait3A_406 = arith.constant 0 : i32
      %dma_wait3A_407 = arith.constant 0 : i32
      %dma_wait3A_408 = tpu.memref_slice %arg6[%dma_wait3A_404, %dma_wait3A_406, %dma_wait3A_407] : memref<8x128x32xf32, #tpu.memory_space<vmem>> -> memref<1x128x32xf32, #tpu.memory_space<vmem>>
      %dma_wait3A_409 = tpu.memref_squeeze %dma_wait3A_408 : memref<1x128x32xf32, #tpu.memory_space<vmem>> -> memref<128x32xf32, #tpu.memory_space<vmem>>
      %dma_wait3A_410 = arith.constant 0 : i32
      %dma_wait3A_411 = tpu.memref_slice %arg5[%add3A_403, %dma_wait3A_410] : memref<104x128xi32, #tpu.memory_space<vmem>> -> memref<1x128xi32, #tpu.memory_space<vmem>>
      %dma_wait3A_412 = tpu.memref_squeeze %dma_wait3A_411 : memref<1x128xi32, #tpu.memory_space<vmem>> -> memref<128xi32, #tpu.memory_space<vmem>>
      %dma_wait3A_413 = arith.constant 0 : i32
      %dma_wait3A_414 = arith.constant 0 : i32
      %dma_wait3A_415 = tpu.memref_slice %arg2[%dma_wait3A_413, %dma_wait3A_414] : memref<1000000x32xf32, #tpu.memory_space<hbm>> -> memref<1000000x32xf32, #tpu.memory_space<hbm>>
      %dma_wait3A_416 = tpu.memref_slice %arg7[%dma_wait3A_405] : memref<8x!tpu.dma_semaphore, #tpu.memory_space<semaphore_mem>> -> memref<1x!tpu.dma_semaphore, #tpu.memory_space<semaphore_mem>>
      %dma_wait3A_417 = tpu.memref_squeeze %dma_wait3A_416 : memref<1x!tpu.dma_semaphore, #tpu.memory_space<semaphore_mem>> -> memref<!tpu.dma_semaphore, #tpu.memory_space<semaphore_mem>>
      tpu.wait_indirect_dma semaphore(%dma_wait3A_417 : memref<!tpu.dma_semaphore, #tpu.memory_space<semaphore_mem>>) src(%dma_wait3A_415 : memref<1000000x32xf32, #tpu.memory_space<hbm>>) dst(%dma_wait3A_409 : memref<128x32xf32, #tpu.memory_space<vmem>>)
      %run_scoped3A_418 = arith.constant 4 : i32
      "tpu.region"() ({
        %run_scoped3A_540 = tpu.sem_alloc : memref<!tpu.dma_semaphore, #tpu.memory_space<semaphore_mem>>
        %dma_start3A_541 = arith.constant 0 : i32
        %dma_start3A_542 = arith.constant 0 : i32
        %dma_start3A_543 = tpu.memref_slice %arg6[%run_scoped3A_418, %dma_start3A_541, %dma_start3A_542] : memref<8x128x32xf32, #tpu.memory_space<vmem>> -> memref<1x128x32xf32, #tpu.memory_space<vmem>>
        %dma_start3A_544 = tpu.memref_squeeze %dma_start3A_543 : memref<1x128x32xf32, #tpu.memory_space<vmem>> -> memref<128x32xf32, #tpu.memory_space<vmem>>
        %dma_start3A_545 = arith.constant 0 : i32
        %dma_start3A_546 = arith.constant 0 : i32
        %dma_start3A_547 = tpu.memref_slice %arg4[%add3A, %add3A_403, %dma_start3A_545, %dma_start3A_546] : memref<32x104x128x32xf32, #tpu.memory_space<hbm>> -> memref<1x1x128x32xf32, #tpu.memory_space<hbm>>
        %dma_start3A_548 = tpu.memref_squeeze %dma_start3A_547 : memref<1x1x128x32xf32, #tpu.memory_space<hbm>> -> memref<128x32xf32, #tpu.memory_space<hbm>>
        %dma_start3A_549 = arith.constant 0 : i32
        %dma_start3A_550 = arith.constant 0 : i32
        %dma_start3A_551 = tpu.memref_slice %arg4[%add3A, %add3A_403, %dma_start3A_549, %dma_start3A_550] : memref<32x104x128x32xf32, #tpu.memory_space<hbm>> -> memref<1x1x128x32xf32, #tpu.memory_space<hbm>>
        %dma_start3A_552 = tpu.memref_squeeze %dma_start3A_551 : memref<1x1x128x32xf32, #tpu.memory_space<hbm>> -> memref<128x32xf32, #tpu.memory_space<hbm>>
        %dma_start3A_553 = arith.constant 0 : i32
        %dma_start3A_554 = arith.constant 0 : i32
        %dma_start3A_555 = tpu.memref_slice %arg6[%run_scoped3A_418, %dma_start3A_553, %dma_start3A_554] : memref<8x128x32xf32, #tpu.memory_space<vmem>> -> memref<1x128x32xf32, #tpu.memory_space<vmem>>
        %dma_start3A_556 = tpu.memref_squeeze %dma_start3A_555 : memref<1x128x32xf32, #tpu.memory_space<vmem>> -> memref<128x32xf32, #tpu.memory_space<vmem>>
        tpu.enqueue_dma source(%dma_start3A_556 : memref<128x32xf32, #tpu.memory_space<vmem>>) target(%dma_start3A_552 : memref<128x32xf32, #tpu.memory_space<hbm>>) target_semaphore(%run_scoped3A_540 : memref<!tpu.dma_semaphore, #tpu.memory_space<semaphore_mem>>)
        %dma_wait3A_557 = arith.constant 0 : i32
        %dma_wait3A_558 = arith.constant 0 : i32
        %dma_wait3A_559 = tpu.memref_slice %arg6[%run_scoped3A_418, %dma_wait3A_557, %dma_wait3A_558] : memref<8x128x32xf32, #tpu.memory_space<vmem>> -> memref<1x128x32xf32, #tpu.memory_space<vmem>>
        %dma_wait3A_560 = tpu.memref_squeeze %dma_wait3A_559 : memref<1x128x32xf32, #tpu.memory_space<vmem>> -> memref<128x32xf32, #tpu.memory_space<vmem>>
        %dma_wait3A_561 = arith.constant 0 : i32
        %dma_wait3A_562 = arith.constant 0 : i32
        %dma_wait3A_563 = tpu.memref_slice %arg4[%add3A, %add3A_403, %dma_wait3A_561, %dma_wait3A_562] : memref<32x104x128x32xf32, #tpu.memory_space<hbm>> -> memref<1x1x128x32xf32, #tpu.memory_space<hbm>>
        %dma_wait3A_564 = tpu.memref_squeeze %dma_wait3A_563 : memref<1x1x128x32xf32, #tpu.memory_space<hbm>> -> memref<128x32xf32, #tpu.memory_space<hbm>>
        %dma_wait3A_565 = arith.constant 0 : i32
        %dma_wait3A_566 = arith.constant 0 : i32
        %dma_wait3A_567 = tpu.memref_slice %arg4[%add3A, %add3A_403, %dma_wait3A_565, %dma_wait3A_566] : memref<32x104x128x32xf32, #tpu.memory_space<hbm>> -> memref<1x1x128x32xf32, #tpu.memory_space<hbm>>
        %dma_wait3A_568 = tpu.memref_squeeze %dma_wait3A_567 : memref<1x1x128x32xf32, #tpu.memory_space<hbm>> -> memref<128x32xf32, #tpu.memory_space<hbm>>
        %dma_wait3A_569 = arith.constant 0 : i32
        %dma_wait3A_570 = arith.constant 0 : i32
        %dma_wait3A_571 = tpu.memref_slice %arg6[%run_scoped3A_418, %dma_wait3A_569, %dma_wait3A_570] : memref<8x128x32xf32, #tpu.memory_space<vmem>> -> memref<1x128x32xf32, #tpu.memory_space<vmem>>
        %dma_wait3A_572 = tpu.memref_squeeze %dma_wait3A_571 : memref<1x128x32xf32, #tpu.memory_space<vmem>> -> memref<128x32xf32, #tpu.memory_space<vmem>>
        tpu.wait_dma2 semaphore(%run_scoped3A_540 : memref<!tpu.dma_semaphore, #tpu.memory_space<semaphore_mem>>) src(%dma_wait3A_572 : memref<128x32xf32, #tpu.memory_space<vmem>>) dst(%dma_wait3A_568 : memref<128x32xf32, #tpu.memory_space<hbm>>)
        tpu.yield
      }) : () -> ()
      %add3A_419 = arith.constant 8 : i32
      %add3A_420 = arith.addi %add3A_403, %add3A_419 : i32
      %dma_start3A_421 = arith.constant 4 : i32
      %dma_start3A_422 = arith.constant 4 : i32
      %dma_start3A_423 = arith.constant 0 : i32
      %dma_start3A_424 = arith.constant 0 : i32
      %dma_start3A_425 = tpu.memref_slice %arg6[%dma_start3A_421, %dma_start3A_423, %dma_start3A_424] : memref<8x128x32xf32, #tpu.memory_space<vmem>> -> memref<1x128x32xf32, #tpu.memory_space<vmem>>
      %dma_start3A_426 = tpu.memref_squeeze %dma_start3A_425 : memref<1x128x32xf32, #tpu.memory_space<vmem>> -> memref<128x32xf32, #tpu.memory_space<vmem>>
      %dma_start3A_427 = arith.constant 0 : i32
      %dma_start3A_428 = tpu.memref_slice %arg5[%add3A_420, %dma_start3A_427] : memref<104x128xi32, #tpu.memory_space<vmem>> -> memref<1x128xi32, #tpu.memory_space<vmem>>
      %dma_start3A_429 = tpu.memref_squeeze %dma_start3A_428 : memref<1x128xi32, #tpu.memory_space<vmem>> -> memref<128xi32, #tpu.memory_space<vmem>>
      %dma_start3A_430 = arith.constant 0 : i32
      %dma_start3A_431 = arith.constant 0 : i32
      %dma_start3A_432 = tpu.memref_slice %arg2[%dma_start3A_430, %dma_start3A_431] : memref<1000000x32xf32, #tpu.memory_space<hbm>> -> memref<1000000x32xf32, #tpu.memory_space<hbm>>
      %dma_start3A_433 = tpu.memref_slice %arg7[%dma_start3A_422] : memref<8x!tpu.dma_semaphore, #tpu.memory_space<semaphore_mem>> -> memref<1x!tpu.dma_semaphore, #tpu.memory_space<semaphore_mem>>
      %dma_start3A_434 = tpu.memref_squeeze %dma_start3A_433 : memref<1x!tpu.dma_semaphore, #tpu.memory_space<semaphore_mem>> -> memref<!tpu.dma_semaphore, #tpu.memory_space<semaphore_mem>>
      tpu.enqueue_indirect_dma source(%dma_start3A_432 : memref<1000000x32xf32, #tpu.memory_space<hbm>>) target(%dma_start3A_426 : memref<128x32xf32, #tpu.memory_space<vmem>>) offsets(%dma_start3A_429 : memref<128xi32, #tpu.memory_space<vmem>>) semaphore(%dma_start3A_434 : memref<!tpu.dma_semaphore, #tpu.memory_space<semaphore_mem>>)
      %mul3A_435 = arith.constant 8 : i32
      %mul3A_436 = arith.muli %scan3A_259, %mul3A_435 : i32
      %add3A_437 = arith.constant 5 : i32
      %add3A_438 = arith.addi %mul3A_436, %add3A_437 : i32
      %dma_wait3A_439 = arith.constant 5 : i32
      %dma_wait3A_440 = arith.constant 5 : i32
      %dma_wait3A_441 = arith.constant 0 : i32
      %dma_wait3A_442 = arith.constant 0 : i32
      %dma_wait3A_443 = tpu.memref_slice %arg6[%dma_wait3A_439, %dma_wait3A_441, %dma_wait3A_442] : memref<8x128x32xf32, #tpu.memory_space<vmem>> -> memref<1x128x32xf32, #tpu.memory_space<vmem>>
      %dma_wait3A_444 = tpu.memref_squeeze %dma_wait3A_443 : memref<1x128x32xf32, #tpu.memory_space<vmem>> -> memref<128x32xf32, #tpu.memory_space<vmem>>
      %dma_wait3A_445 = arith.constant 0 : i32
      %dma_wait3A_446 = tpu.memref_slice %arg5[%add3A_438, %dma_wait3A_445] : memref<104x128xi32, #tpu.memory_space<vmem>> -> memref<1x128xi32, #tpu.memory_space<vmem>>
      %dma_wait3A_447 = tpu.memref_squeeze %dma_wait3A_446 : memref<1x128xi32, #tpu.memory_space<vmem>> -> memref<128xi32, #tpu.memory_space<vmem>>
      %dma_wait3A_448 = arith.constant 0 : i32
      %dma_wait3A_449 = arith.constant 0 : i32
      %dma_wait3A_450 = tpu.memref_slice %arg2[%dma_wait3A_448, %dma_wait3A_449] : memref<1000000x32xf32, #tpu.memory_space<hbm>> -> memref<1000000x32xf32, #tpu.memory_space<hbm>>
      %dma_wait3A_451 = tpu.memref_slice %arg7[%dma_wait3A_440] : memref<8x!tpu.dma_semaphore, #tpu.memory_space<semaphore_mem>> -> memref<1x!tpu.dma_semaphore, #tpu.memory_space<semaphore_mem>>
      %dma_wait3A_452 = tpu.memref_squeeze %dma_wait3A_451 : memref<1x!tpu.dma_semaphore, #tpu.memory_space<semaphore_mem>> -> memref<!tpu.dma_semaphore, #tpu.memory_space<semaphore_mem>>
      tpu.wait_indirect_dma semaphore(%dma_wait3A_452 : memref<!tpu.dma_semaphore, #tpu.memory_space<semaphore_mem>>) src(%dma_wait3A_450 : memref<1000000x32xf32, #tpu.memory_space<hbm>>) dst(%dma_wait3A_444 : memref<128x32xf32, #tpu.memory_space<vmem>>)
      %run_scoped3A_453 = arith.constant 5 : i32
      "tpu.region"() ({
        %run_scoped3A_540 = tpu.sem_alloc : memref<!tpu.dma_semaphore, #tpu.memory_space<semaphore_mem>>
        %dma_start3A_541 = arith.constant 0 : i32
        %dma_start3A_542 = arith.constant 0 : i32
        %dma_start3A_543 = tpu.memref_slice %arg6[%run_scoped3A_453, %dma_start3A_541, %dma_start3A_542] : memref<8x128x32xf32, #tpu.memory_space<vmem>> -> memref<1x128x32xf32, #tpu.memory_space<vmem>>
        %dma_start3A_544 = tpu.memref_squeeze %dma_start3A_543 : memref<1x128x32xf32, #tpu.memory_space<vmem>> -> memref<128x32xf32, #tpu.memory_space<vmem>>
        %dma_start3A_545 = arith.constant 0 : i32
        %dma_start3A_546 = arith.constant 0 : i32
        %dma_start3A_547 = tpu.memref_slice %arg4[%add3A, %add3A_438, %dma_start3A_545, %dma_start3A_546] : memref<32x104x128x32xf32, #tpu.memory_space<hbm>> -> memref<1x1x128x32xf32, #tpu.memory_space<hbm>>
        %dma_start3A_548 = tpu.memref_squeeze %dma_start3A_547 : memref<1x1x128x32xf32, #tpu.memory_space<hbm>> -> memref<128x32xf32, #tpu.memory_space<hbm>>
        %dma_start3A_549 = arith.constant 0 : i32
        %dma_start3A_550 = arith.constant 0 : i32
        %dma_start3A_551 = tpu.memref_slice %arg4[%add3A, %add3A_438, %dma_start3A_549, %dma_start3A_550] : memref<32x104x128x32xf32, #tpu.memory_space<hbm>> -> memref<1x1x128x32xf32, #tpu.memory_space<hbm>>
        %dma_start3A_552 = tpu.memref_squeeze %dma_start3A_551 : memref<1x1x128x32xf32, #tpu.memory_space<hbm>> -> memref<128x32xf32, #tpu.memory_space<hbm>>
        %dma_start3A_553 = arith.constant 0 : i32
        %dma_start3A_554 = arith.constant 0 : i32
        %dma_start3A_555 = tpu.memref_slice %arg6[%run_scoped3A_453, %dma_start3A_553, %dma_start3A_554] : memref<8x128x32xf32, #tpu.memory_space<vmem>> -> memref<1x128x32xf32, #tpu.memory_space<vmem>>
        %dma_start3A_556 = tpu.memref_squeeze %dma_start3A_555 : memref<1x128x32xf32, #tpu.memory_space<vmem>> -> memref<128x32xf32, #tpu.memory_space<vmem>>
        tpu.enqueue_dma source(%dma_start3A_556 : memref<128x32xf32, #tpu.memory_space<vmem>>) target(%dma_start3A_552 : memref<128x32xf32, #tpu.memory_space<hbm>>) target_semaphore(%run_scoped3A_540 : memref<!tpu.dma_semaphore, #tpu.memory_space<semaphore_mem>>)
        %dma_wait3A_557 = arith.constant 0 : i32
        %dma_wait3A_558 = arith.constant 0 : i32
        %dma_wait3A_559 = tpu.memref_slice %arg6[%run_scoped3A_453, %dma_wait3A_557, %dma_wait3A_558] : memref<8x128x32xf32, #tpu.memory_space<vmem>> -> memref<1x128x32xf32, #tpu.memory_space<vmem>>
        %dma_wait3A_560 = tpu.memref_squeeze %dma_wait3A_559 : memref<1x128x32xf32, #tpu.memory_space<vmem>> -> memref<128x32xf32, #tpu.memory_space<vmem>>
        %dma_wait3A_561 = arith.constant 0 : i32
        %dma_wait3A_562 = arith.constant 0 : i32
        %dma_wait3A_563 = tpu.memref_slice %arg4[%add3A, %add3A_438, %dma_wait3A_561, %dma_wait3A_562] : memref<32x104x128x32xf32, #tpu.memory_space<hbm>> -> memref<1x1x128x32xf32, #tpu.memory_space<hbm>>
        %dma_wait3A_564 = tpu.memref_squeeze %dma_wait3A_563 : memref<1x1x128x32xf32, #tpu.memory_space<hbm>> -> memref<128x32xf32, #tpu.memory_space<hbm>>
        %dma_wait3A_565 = arith.constant 0 : i32
        %dma_wait3A_566 = arith.constant 0 : i32
        %dma_wait3A_567 = tpu.memref_slice %arg4[%add3A, %add3A_438, %dma_wait3A_565, %dma_wait3A_566] : memref<32x104x128x32xf32, #tpu.memory_space<hbm>> -> memref<1x1x128x32xf32, #tpu.memory_space<hbm>>
        %dma_wait3A_568 = tpu.memref_squeeze %dma_wait3A_567 : memref<1x1x128x32xf32, #tpu.memory_space<hbm>> -> memref<128x32xf32, #tpu.memory_space<hbm>>
        %dma_wait3A_569 = arith.constant 0 : i32
        %dma_wait3A_570 = arith.constant 0 : i32
        %dma_wait3A_571 = tpu.memref_slice %arg6[%run_scoped3A_453, %dma_wait3A_569, %dma_wait3A_570] : memref<8x128x32xf32, #tpu.memory_space<vmem>> -> memref<1x128x32xf32, #tpu.memory_space<vmem>>
        %dma_wait3A_572 = tpu.memref_squeeze %dma_wait3A_571 : memref<1x128x32xf32, #tpu.memory_space<vmem>> -> memref<128x32xf32, #tpu.memory_space<vmem>>
        tpu.wait_dma2 semaphore(%run_scoped3A_540 : memref<!tpu.dma_semaphore, #tpu.memory_space<semaphore_mem>>) src(%dma_wait3A_572 : memref<128x32xf32, #tpu.memory_space<vmem>>) dst(%dma_wait3A_568 : memref<128x32xf32, #tpu.memory_space<hbm>>)
        tpu.yield
      }) : () -> ()
      %add3A_454 = arith.constant 8 : i32
      %add3A_455 = arith.addi %add3A_438, %add3A_454 : i32
      %dma_start3A_456 = arith.constant 5 : i32
      %dma_start3A_457 = arith.constant 5 : i32
      %dma_start3A_458 = arith.constant 0 : i32
      %dma_start3A_459 = arith.constant 0 : i32
      %dma_start3A_460 = tpu.memref_slice %arg6[%dma_start3A_456, %dma_start3A_458, %dma_start3A_459] : memref<8x128x32xf32, #tpu.memory_space<vmem>> -> memref<1x128x32xf32, #tpu.memory_space<vmem>>
      %dma_start3A_461 = tpu.memref_squeeze %dma_start3A_460 : memref<1x128x32xf32, #tpu.memory_space<vmem>> -> memref<128x32xf32, #tpu.memory_space<vmem>>
      %dma_start3A_462 = arith.constant 0 : i32
      %dma_start3A_463 = tpu.memref_slice %arg5[%add3A_455, %dma_start3A_462] : memref<104x128xi32, #tpu.memory_space<vmem>> -> memref<1x128xi32, #tpu.memory_space<vmem>>
      %dma_start3A_464 = tpu.memref_squeeze %dma_start3A_463 : memref<1x128xi32, #tpu.memory_space<vmem>> -> memref<128xi32, #tpu.memory_space<vmem>>
      %dma_start3A_465 = arith.constant 0 : i32
      %dma_start3A_466 = arith.constant 0 : i32
      %dma_start3A_467 = tpu.memref_slice %arg2[%dma_start3A_465, %dma_start3A_466] : memref<1000000x32xf32, #tpu.memory_space<hbm>> -> memref<1000000x32xf32, #tpu.memory_space<hbm>>
      %dma_start3A_468 = tpu.memref_slice %arg7[%dma_start3A_457] : memref<8x!tpu.dma_semaphore, #tpu.memory_space<semaphore_mem>> -> memref<1x!tpu.dma_semaphore, #tpu.memory_space<semaphore_mem>>
      %dma_start3A_469 = tpu.memref_squeeze %dma_start3A_468 : memref<1x!tpu.dma_semaphore, #tpu.memory_space<semaphore_mem>> -> memref<!tpu.dma_semaphore, #tpu.memory_space<semaphore_mem>>
      tpu.enqueue_indirect_dma source(%dma_start3A_467 : memref<1000000x32xf32, #tpu.memory_space<hbm>>) target(%dma_start3A_461 : memref<128x32xf32, #tpu.memory_space<vmem>>) offsets(%dma_start3A_464 : memref<128xi32, #tpu.memory_space<vmem>>) semaphore(%dma_start3A_469 : memref<!tpu.dma_semaphore, #tpu.memory_space<semaphore_mem>>)
      %mul3A_470 = arith.constant 8 : i32
      %mul3A_471 = arith.muli %scan3A_259, %mul3A_470 : i32
      %add3A_472 = arith.constant 6 : i32
      %add3A_473 = arith.addi %mul3A_471, %add3A_472 : i32
      %dma_wait3A_474 = arith.constant 6 : i32
      %dma_wait3A_475 = arith.constant 6 : i32
      %dma_wait3A_476 = arith.constant 0 : i32
      %dma_wait3A_477 = arith.constant 0 : i32
      %dma_wait3A_478 = tpu.memref_slice %arg6[%dma_wait3A_474, %dma_wait3A_476, %dma_wait3A_477] : memref<8x128x32xf32, #tpu.memory_space<vmem>> -> memref<1x128x32xf32, #tpu.memory_space<vmem>>
      %dma_wait3A_479 = tpu.memref_squeeze %dma_wait3A_478 : memref<1x128x32xf32, #tpu.memory_space<vmem>> -> memref<128x32xf32, #tpu.memory_space<vmem>>
      %dma_wait3A_480 = arith.constant 0 : i32
      %dma_wait3A_481 = tpu.memref_slice %arg5[%add3A_473, %dma_wait3A_480] : memref<104x128xi32, #tpu.memory_space<vmem>> -> memref<1x128xi32, #tpu.memory_space<vmem>>
      %dma_wait3A_482 = tpu.memref_squeeze %dma_wait3A_481 : memref<1x128xi32, #tpu.memory_space<vmem>> -> memref<128xi32, #tpu.memory_space<vmem>>
      %dma_wait3A_483 = arith.constant 0 : i32
      %dma_wait3A_484 = arith.constant 0 : i32
      %dma_wait3A_485 = tpu.memref_slice %arg2[%dma_wait3A_483, %dma_wait3A_484] : memref<1000000x32xf32, #tpu.memory_space<hbm>> -> memref<1000000x32xf32, #tpu.memory_space<hbm>>
      %dma_wait3A_486 = tpu.memref_slice %arg7[%dma_wait3A_475] : memref<8x!tpu.dma_semaphore, #tpu.memory_space<semaphore_mem>> -> memref<1x!tpu.dma_semaphore, #tpu.memory_space<semaphore_mem>>
      %dma_wait3A_487 = tpu.memref_squeeze %dma_wait3A_486 : memref<1x!tpu.dma_semaphore, #tpu.memory_space<semaphore_mem>> -> memref<!tpu.dma_semaphore, #tpu.memory_space<semaphore_mem>>
      tpu.wait_indirect_dma semaphore(%dma_wait3A_487 : memref<!tpu.dma_semaphore, #tpu.memory_space<semaphore_mem>>) src(%dma_wait3A_485 : memref<1000000x32xf32, #tpu.memory_space<hbm>>) dst(%dma_wait3A_479 : memref<128x32xf32, #tpu.memory_space<vmem>>)
      %run_scoped3A_488 = arith.constant 6 : i32
      "tpu.region"() ({
        %run_scoped3A_540 = tpu.sem_alloc : memref<!tpu.dma_semaphore, #tpu.memory_space<semaphore_mem>>
        %dma_start3A_541 = arith.constant 0 : i32
        %dma_start3A_542 = arith.constant 0 : i32
        %dma_start3A_543 = tpu.memref_slice %arg6[%run_scoped3A_488, %dma_start3A_541, %dma_start3A_542] : memref<8x128x32xf32, #tpu.memory_space<vmem>> -> memref<1x128x32xf32, #tpu.memory_space<vmem>>
        %dma_start3A_544 = tpu.memref_squeeze %dma_start3A_543 : memref<1x128x32xf32, #tpu.memory_space<vmem>> -> memref<128x32xf32, #tpu.memory_space<vmem>>
        %dma_start3A_545 = arith.constant 0 : i32
        %dma_start3A_546 = arith.constant 0 : i32
        %dma_start3A_547 = tpu.memref_slice %arg4[%add3A, %add3A_473, %dma_start3A_545, %dma_start3A_546] : memref<32x104x128x32xf32, #tpu.memory_space<hbm>> -> memref<1x1x128x32xf32, #tpu.memory_space<hbm>>
        %dma_start3A_548 = tpu.memref_squeeze %dma_start3A_547 : memref<1x1x128x32xf32, #tpu.memory_space<hbm>> -> memref<128x32xf32, #tpu.memory_space<hbm>>
        %dma_start3A_549 = arith.constant 0 : i32
        %dma_start3A_550 = arith.constant 0 : i32
        %dma_start3A_551 = tpu.memref_slice %arg4[%add3A, %add3A_473, %dma_start3A_549, %dma_start3A_550] : memref<32x104x128x32xf32, #tpu.memory_space<hbm>> -> memref<1x1x128x32xf32, #tpu.memory_space<hbm>>
        %dma_start3A_552 = tpu.memref_squeeze %dma_start3A_551 : memref<1x1x128x32xf32, #tpu.memory_space<hbm>> -> memref<128x32xf32, #tpu.memory_space<hbm>>
        %dma_start3A_553 = arith.constant 0 : i32
        %dma_start3A_554 = arith.constant 0 : i32
        %dma_start3A_555 = tpu.memref_slice %arg6[%run_scoped3A_488, %dma_start3A_553, %dma_start3A_554] : memref<8x128x32xf32, #tpu.memory_space<vmem>> -> memref<1x128x32xf32, #tpu.memory_space<vmem>>
        %dma_start3A_556 = tpu.memref_squeeze %dma_start3A_555 : memref<1x128x32xf32, #tpu.memory_space<vmem>> -> memref<128x32xf32, #tpu.memory_space<vmem>>
        tpu.enqueue_dma source(%dma_start3A_556 : memref<128x32xf32, #tpu.memory_space<vmem>>) target(%dma_start3A_552 : memref<128x32xf32, #tpu.memory_space<hbm>>) target_semaphore(%run_scoped3A_540 : memref<!tpu.dma_semaphore, #tpu.memory_space<semaphore_mem>>)
        %dma_wait3A_557 = arith.constant 0 : i32
        %dma_wait3A_558 = arith.constant 0 : i32
        %dma_wait3A_559 = tpu.memref_slice %arg6[%run_scoped3A_488, %dma_wait3A_557, %dma_wait3A_558] : memref<8x128x32xf32, #tpu.memory_space<vmem>> -> memref<1x128x32xf32, #tpu.memory_space<vmem>>
        %dma_wait3A_560 = tpu.memref_squeeze %dma_wait3A_559 : memref<1x128x32xf32, #tpu.memory_space<vmem>> -> memref<128x32xf32, #tpu.memory_space<vmem>>
        %dma_wait3A_561 = arith.constant 0 : i32
        %dma_wait3A_562 = arith.constant 0 : i32
        %dma_wait3A_563 = tpu.memref_slice %arg4[%add3A, %add3A_473, %dma_wait3A_561, %dma_wait3A_562] : memref<32x104x128x32xf32, #tpu.memory_space<hbm>> -> memref<1x1x128x32xf32, #tpu.memory_space<hbm>>
        %dma_wait3A_564 = tpu.memref_squeeze %dma_wait3A_563 : memref<1x1x128x32xf32, #tpu.memory_space<hbm>> -> memref<128x32xf32, #tpu.memory_space<hbm>>
        %dma_wait3A_565 = arith.constant 0 : i32
        %dma_wait3A_566 = arith.constant 0 : i32
        %dma_wait3A_567 = tpu.memref_slice %arg4[%add3A, %add3A_473, %dma_wait3A_565, %dma_wait3A_566] : memref<32x104x128x32xf32, #tpu.memory_space<hbm>> -> memref<1x1x128x32xf32, #tpu.memory_space<hbm>>
        %dma_wait3A_568 = tpu.memref_squeeze %dma_wait3A_567 : memref<1x1x128x32xf32, #tpu.memory_space<hbm>> -> memref<128x32xf32, #tpu.memory_space<hbm>>
        %dma_wait3A_569 = arith.constant 0 : i32
        %dma_wait3A_570 = arith.constant 0 : i32
        %dma_wait3A_571 = tpu.memref_slice %arg6[%run_scoped3A_488, %dma_wait3A_569, %dma_wait3A_570] : memref<8x128x32xf32, #tpu.memory_space<vmem>> -> memref<1x128x32xf32, #tpu.memory_space<vmem>>
        %dma_wait3A_572 = tpu.memref_squeeze %dma_wait3A_571 : memref<1x128x32xf32, #tpu.memory_space<vmem>> -> memref<128x32xf32, #tpu.memory_space<vmem>>
        tpu.wait_dma2 semaphore(%run_scoped3A_540 : memref<!tpu.dma_semaphore, #tpu.memory_space<semaphore_mem>>) src(%dma_wait3A_572 : memref<128x32xf32, #tpu.memory_space<vmem>>) dst(%dma_wait3A_568 : memref<128x32xf32, #tpu.memory_space<hbm>>)
        tpu.yield
      }) : () -> ()
      %add3A_489 = arith.constant 8 : i32
      %add3A_490 = arith.addi %add3A_473, %add3A_489 : i32
      %dma_start3A_491 = arith.constant 6 : i32
      %dma_start3A_492 = arith.constant 6 : i32
      %dma_start3A_493 = arith.constant 0 : i32
      %dma_start3A_494 = arith.constant 0 : i32
      %dma_start3A_495 = tpu.memref_slice %arg6[%dma_start3A_491, %dma_start3A_493, %dma_start3A_494] : memref<8x128x32xf32, #tpu.memory_space<vmem>> -> memref<1x128x32xf32, #tpu.memory_space<vmem>>
      %dma_start3A_496 = tpu.memref_squeeze %dma_start3A_495 : memref<1x128x32xf32, #tpu.memory_space<vmem>> -> memref<128x32xf32, #tpu.memory_space<vmem>>
      %dma_start3A_497 = arith.constant 0 : i32
      %dma_start3A_498 = tpu.memref_slice %arg5[%add3A_490, %dma_start3A_497] : memref<104x128xi32, #tpu.memory_space<vmem>> -> memref<1x128xi32, #tpu.memory_space<vmem>>
      %dma_start3A_499 = tpu.memref_squeeze %dma_start3A_498 : memref<1x128xi32, #tpu.memory_space<vmem>> -> memref<128xi32, #tpu.memory_space<vmem>>
      %dma_start3A_500 = arith.constant 0 : i32
      %dma_start3A_501 = arith.constant 0 : i32
      %dma_start3A_502 = tpu.memref_slice %arg2[%dma_start3A_500, %dma_start3A_501] : memref<1000000x32xf32, #tpu.memory_space<hbm>> -> memref<1000000x32xf32, #tpu.memory_space<hbm>>
      %dma_start3A_503 = tpu.memref_slice %arg7[%dma_start3A_492] : memref<8x!tpu.dma_semaphore, #tpu.memory_space<semaphore_mem>> -> memref<1x!tpu.dma_semaphore, #tpu.memory_space<semaphore_mem>>
      %dma_start3A_504 = tpu.memref_squeeze %dma_start3A_503 : memref<1x!tpu.dma_semaphore, #tpu.memory_space<semaphore_mem>> -> memref<!tpu.dma_semaphore, #tpu.memory_space<semaphore_mem>>
      tpu.enqueue_indirect_dma source(%dma_start3A_502 : memref<1000000x32xf32, #tpu.memory_space<hbm>>) target(%dma_start3A_496 : memref<128x32xf32, #tpu.memory_space<vmem>>) offsets(%dma_start3A_499 : memref<128xi32, #tpu.memory_space<vmem>>) semaphore(%dma_start3A_504 : memref<!tpu.dma_semaphore, #tpu.memory_space<semaphore_mem>>)
      %mul3A_505 = arith.constant 8 : i32
      %mul3A_506 = arith.muli %scan3A_259, %mul3A_505 : i32
      %add3A_507 = arith.constant 7 : i32
      %add3A_508 = arith.addi %mul3A_506, %add3A_507 : i32
      %dma_wait3A_509 = arith.constant 7 : i32
      %dma_wait3A_510 = arith.constant 7 : i32
      %dma_wait3A_511 = arith.constant 0 : i32
      %dma_wait3A_512 = arith.constant 0 : i32
      %dma_wait3A_513 = tpu.memref_slice %arg6[%dma_wait3A_509, %dma_wait3A_511, %dma_wait3A_512] : memref<8x128x32xf32, #tpu.memory_space<vmem>> -> memref<1x128x32xf32, #tpu.memory_space<vmem>>
      %dma_wait3A_514 = tpu.memref_squeeze %dma_wait3A_513 : memref<1x128x32xf32, #tpu.memory_space<vmem>> -> memref<128x32xf32, #tpu.memory_space<vmem>>
      %dma_wait3A_515 = arith.constant 0 : i32
      %dma_wait3A_516 = tpu.memref_slice %arg5[%add3A_508, %dma_wait3A_515] : memref<104x128xi32, #tpu.memory_space<vmem>> -> memref<1x128xi32, #tpu.memory_space<vmem>>
      %dma_wait3A_517 = tpu.memref_squeeze %dma_wait3A_516 : memref<1x128xi32, #tpu.memory_space<vmem>> -> memref<128xi32, #tpu.memory_space<vmem>>
      %dma_wait3A_518 = arith.constant 0 : i32
      %dma_wait3A_519 = arith.constant 0 : i32
      %dma_wait3A_520 = tpu.memref_slice %arg2[%dma_wait3A_518, %dma_wait3A_519] : memref<1000000x32xf32, #tpu.memory_space<hbm>> -> memref<1000000x32xf32, #tpu.memory_space<hbm>>
      %dma_wait3A_521 = tpu.memref_slice %arg7[%dma_wait3A_510] : memref<8x!tpu.dma_semaphore, #tpu.memory_space<semaphore_mem>> -> memref<1x!tpu.dma_semaphore, #tpu.memory_space<semaphore_mem>>
      %dma_wait3A_522 = tpu.memref_squeeze %dma_wait3A_521 : memref<1x!tpu.dma_semaphore, #tpu.memory_space<semaphore_mem>> -> memref<!tpu.dma_semaphore, #tpu.memory_space<semaphore_mem>>
      tpu.wait_indirect_dma semaphore(%dma_wait3A_522 : memref<!tpu.dma_semaphore, #tpu.memory_space<semaphore_mem>>) src(%dma_wait3A_520 : memref<1000000x32xf32, #tpu.memory_space<hbm>>) dst(%dma_wait3A_514 : memref<128x32xf32, #tpu.memory_space<vmem>>)
      %run_scoped3A_523 = arith.constant 7 : i32
      "tpu.region"() ({
        %run_scoped3A_540 = tpu.sem_alloc : memref<!tpu.dma_semaphore, #tpu.memory_space<semaphore_mem>>
        %dma_start3A_541 = arith.constant 0 : i32
        %dma_start3A_542 = arith.constant 0 : i32
        %dma_start3A_543 = tpu.memref_slice %arg6[%run_scoped3A_523, %dma_start3A_541, %dma_start3A_542] : memref<8x128x32xf32, #tpu.memory_space<vmem>> -> memref<1x128x32xf32, #tpu.memory_space<vmem>>
        %dma_start3A_544 = tpu.memref_squeeze %dma_start3A_543 : memref<1x128x32xf32, #tpu.memory_space<vmem>> -> memref<128x32xf32, #tpu.memory_space<vmem>>
        %dma_start3A_545 = arith.constant 0 : i32
        %dma_start3A_546 = arith.constant 0 : i32
        %dma_start3A_547 = tpu.memref_slice %arg4[%add3A, %add3A_508, %dma_start3A_545, %dma_start3A_546] : memref<32x104x128x32xf32, #tpu.memory_space<hbm>> -> memref<1x1x128x32xf32, #tpu.memory_space<hbm>>
        %dma_start3A_548 = tpu.memref_squeeze %dma_start3A_547 : memref<1x1x128x32xf32, #tpu.memory_space<hbm>> -> memref<128x32xf32, #tpu.memory_space<hbm>>
        %dma_start3A_549 = arith.constant 0 : i32
        %dma_start3A_550 = arith.constant 0 : i32
        %dma_start3A_551 = tpu.memref_slice %arg4[%add3A, %add3A_508, %dma_start3A_549, %dma_start3A_550] : memref<32x104x128x32xf32, #tpu.memory_space<hbm>> -> memref<1x1x128x32xf32, #tpu.memory_space<hbm>>
        %dma_start3A_552 = tpu.memref_squeeze %dma_start3A_551 : memref<1x1x128x32xf32, #tpu.memory_space<hbm>> -> memref<128x32xf32, #tpu.memory_space<hbm>>
        %dma_start3A_553 = arith.constant 0 : i32
        %dma_start3A_554 = arith.constant 0 : i32
        %dma_start3A_555 = tpu.memref_slice %arg6[%run_scoped3A_523, %dma_start3A_553, %dma_start3A_554] : memref<8x128x32xf32, #tpu.memory_space<vmem>> -> memref<1x128x32xf32, #tpu.memory_space<vmem>>
        %dma_start3A_556 = tpu.memref_squeeze %dma_start3A_555 : memref<1x128x32xf32, #tpu.memory_space<vmem>> -> memref<128x32xf32, #tpu.memory_space<vmem>>
        tpu.enqueue_dma source(%dma_start3A_556 : memref<128x32xf32, #tpu.memory_space<vmem>>) target(%dma_start3A_552 : memref<128x32xf32, #tpu.memory_space<hbm>>) target_semaphore(%run_scoped3A_540 : memref<!tpu.dma_semaphore, #tpu.memory_space<semaphore_mem>>)
        %dma_wait3A_557 = arith.constant 0 : i32
        %dma_wait3A_558 = arith.constant 0 : i32
        %dma_wait3A_559 = tpu.memref_slice %arg6[%run_scoped3A_523, %dma_wait3A_557, %dma_wait3A_558] : memref<8x128x32xf32, #tpu.memory_space<vmem>> -> memref<1x128x32xf32, #tpu.memory_space<vmem>>
        %dma_wait3A_560 = tpu.memref_squeeze %dma_wait3A_559 : memref<1x128x32xf32, #tpu.memory_space<vmem>> -> memref<128x32xf32, #tpu.memory_space<vmem>>
        %dma_wait3A_561 = arith.constant 0 : i32
        %dma_wait3A_562 = arith.constant 0 : i32
        %dma_wait3A_563 = tpu.memref_slice %arg4[%add3A, %add3A_508, %dma_wait3A_561, %dma_wait3A_562] : memref<32x104x128x32xf32, #tpu.memory_space<hbm>> -> memref<1x1x128x32xf32, #tpu.memory_space<hbm>>
        %dma_wait3A_564 = tpu.memref_squeeze %dma_wait3A_563 : memref<1x1x128x32xf32, #tpu.memory_space<hbm>> -> memref<128x32xf32, #tpu.memory_space<hbm>>
        %dma_wait3A_565 = arith.constant 0 : i32
        %dma_wait3A_566 = arith.constant 0 : i32
        %dma_wait3A_567 = tpu.memref_slice %arg4[%add3A, %add3A_508, %dma_wait3A_565, %dma_wait3A_566] : memref<32x104x128x32xf32, #tpu.memory_space<hbm>> -> memref<1x1x128x32xf32, #tpu.memory_space<hbm>>
        %dma_wait3A_568 = tpu.memref_squeeze %dma_wait3A_567 : memref<1x1x128x32xf32, #tpu.memory_space<hbm>> -> memref<128x32xf32, #tpu.memory_space<hbm>>
        %dma_wait3A_569 = arith.constant 0 : i32
        %dma_wait3A_570 = arith.constant 0 : i32
        %dma_wait3A_571 = tpu.memref_slice %arg6[%run_scoped3A_523, %dma_wait3A_569, %dma_wait3A_570] : memref<8x128x32xf32, #tpu.memory_space<vmem>> -> memref<1x128x32xf32, #tpu.memory_space<vmem>>
        %dma_wait3A_572 = tpu.memref_squeeze %dma_wait3A_571 : memref<1x128x32xf32, #tpu.memory_space<vmem>> -> memref<128x32xf32, #tpu.memory_space<vmem>>
        tpu.wait_dma2 semaphore(%run_scoped3A_540 : memref<!tpu.dma_semaphore, #tpu.memory_space<semaphore_mem>>) src(%dma_wait3A_572 : memref<128x32xf32, #tpu.memory_space<vmem>>) dst(%dma_wait3A_568 : memref<128x32xf32, #tpu.memory_space<hbm>>)
        tpu.yield
      }) : () -> ()
      %add3A_524 = arith.constant 8 : i32
      %add3A_525 = arith.addi %add3A_508, %add3A_524 : i32
      %dma_start3A_526 = arith.constant 7 : i32
      %dma_start3A_527 = arith.constant 7 : i32
      %dma_start3A_528 = arith.constant 0 : i32
      %dma_start3A_529 = arith.constant 0 : i32
      %dma_start3A_530 = tpu.memref_slice %arg6[%dma_start3A_526, %dma_start3A_528, %dma_start3A_529] : memref<8x128x32xf32, #tpu.memory_space<vmem>> -> memref<1x128x32xf32, #tpu.memory_space<vmem>>
      %dma_start3A_531 = tpu.memref_squeeze %dma_start3A_530 : memref<1x128x32xf32, #tpu.memory_space<vmem>> -> memref<128x32xf32, #tpu.memory_space<vmem>>
      %dma_start3A_532 = arith.constant 0 : i32
      %dma_start3A_533 = tpu.memref_slice %arg5[%add3A_525, %dma_start3A_532] : memref<104x128xi32, #tpu.memory_space<vmem>> -> memref<1x128xi32, #tpu.memory_space<vmem>>
      %dma_start3A_534 = tpu.memref_squeeze %dma_start3A_533 : memref<1x128xi32, #tpu.memory_space<vmem>> -> memref<128xi32, #tpu.memory_space<vmem>>
      %dma_start3A_535 = arith.constant 0 : i32
      %dma_start3A_536 = arith.constant 0 : i32
      %dma_start3A_537 = tpu.memref_slice %arg2[%dma_start3A_535, %dma_start3A_536] : memref<1000000x32xf32, #tpu.memory_space<hbm>> -> memref<1000000x32xf32, #tpu.memory_space<hbm>>
      %dma_start3A_538 = tpu.memref_slice %arg7[%dma_start3A_527] : memref<8x!tpu.dma_semaphore, #tpu.memory_space<semaphore_mem>> -> memref<1x!tpu.dma_semaphore, #tpu.memory_space<semaphore_mem>>
      %dma_start3A_539 = tpu.memref_squeeze %dma_start3A_538 : memref<1x!tpu.dma_semaphore, #tpu.memory_space<semaphore_mem>> -> memref<!tpu.dma_semaphore, #tpu.memory_space<semaphore_mem>>
      tpu.enqueue_indirect_dma source(%dma_start3A_537 : memref<1000000x32xf32, #tpu.memory_space<hbm>>) target(%dma_start3A_531 : memref<128x32xf32, #tpu.memory_space<vmem>>) offsets(%dma_start3A_534 : memref<128xi32, #tpu.memory_space<vmem>>) semaphore(%dma_start3A_539 : memref<!tpu.dma_semaphore, #tpu.memory_space<semaphore_mem>>)
    }
    %scan3A_124 = arith.constant 12 : i32
    %dma_wait3A = arith.constant 96 : i32
    %dma_wait3A_125 = arith.constant 0 : i32
    %dma_wait3A_126 = arith.constant 0 : i32
    %dma_wait3A_127 = arith.constant 0 : i32
    %dma_wait3A_128 = arith.constant 0 : i32
    %dma_wait3A_129 = tpu.memref_slice %arg6[%dma_wait3A_125, %dma_wait3A_127, %dma_wait3A_128] : memref<8x128x32xf32, #tpu.memory_space<vmem>> -> memref<1x128x32xf32, #tpu.memory_space<vmem>>
    %dma_wait3A_130 = tpu.memref_squeeze %dma_wait3A_129 : memref<1x128x32xf32, #tpu.memory_space<vmem>> -> memref<128x32xf32, #tpu.memory_space<vmem>>
    %dma_wait3A_131 = arith.constant 0 : i32
    %dma_wait3A_132 = tpu.memref_slice %arg5[%dma_wait3A, %dma_wait3A_131] : memref<104x128xi32, #tpu.memory_space<vmem>> -> memref<1x128xi32, #tpu.memory_space<vmem>>
    %dma_wait3A_133 = tpu.memref_squeeze %dma_wait3A_132 : memref<1x128xi32, #tpu.memory_space<vmem>> -> memref<128xi32, #tpu.memory_space<vmem>>
    %dma_wait3A_134 = arith.constant 0 : i32
    %dma_wait3A_135 = arith.constant 0 : i32
    %dma_wait3A_136 = tpu.memref_slice %arg2[%dma_wait3A_134, %dma_wait3A_135] : memref<1000000x32xf32, #tpu.memory_space<hbm>> -> memref<1000000x32xf32, #tpu.memory_space<hbm>>
    %dma_wait3A_137 = tpu.memref_slice %arg7[%dma_wait3A_126] : memref<8x!tpu.dma_semaphore, #tpu.memory_space<semaphore_mem>> -> memref<1x!tpu.dma_semaphore, #tpu.memory_space<semaphore_mem>>
    %dma_wait3A_138 = tpu.memref_squeeze %dma_wait3A_137 : memref<1x!tpu.dma_semaphore, #tpu.memory_space<semaphore_mem>> -> memref<!tpu.dma_semaphore, #tpu.memory_space<semaphore_mem>>
    tpu.wait_indirect_dma semaphore(%dma_wait3A_138 : memref<!tpu.dma_semaphore, #tpu.memory_space<semaphore_mem>>) src(%dma_wait3A_136 : memref<1000000x32xf32, #tpu.memory_space<hbm>>) dst(%dma_wait3A_130 : memref<128x32xf32, #tpu.memory_space<vmem>>)
    %run_scoped3A = arith.constant 0 : i32
    %run_scoped3A_139 = arith.constant 96 : i32
    "tpu.region"() ({
      %run_scoped3A_259 = tpu.sem_alloc : memref<!tpu.dma_semaphore, #tpu.memory_space<semaphore_mem>>
      %dma_start3A_260 = arith.constant 0 : i32
      %dma_start3A_261 = arith.constant 0 : i32
      %dma_start3A_262 = tpu.memref_slice %arg6[%run_scoped3A, %dma_start3A_260, %dma_start3A_261] : memref<8x128x32xf32, #tpu.memory_space<vmem>> -> memref<1x128x32xf32, #tpu.memory_space<vmem>>
      %dma_start3A_263 = tpu.memref_squeeze %dma_start3A_262 : memref<1x128x32xf32, #tpu.memory_space<vmem>> -> memref<128x32xf32, #tpu.memory_space<vmem>>
      %dma_start3A_264 = arith.constant 0 : i32
      %dma_start3A_265 = arith.constant 0 : i32
      %dma_start3A_266 = tpu.memref_slice %arg4[%add3A, %run_scoped3A_139, %dma_start3A_264, %dma_start3A_265] : memref<32x104x128x32xf32, #tpu.memory_space<hbm>> -> memref<1x1x128x32xf32, #tpu.memory_space<hbm>>
      %dma_start3A_267 = tpu.memref_squeeze %dma_start3A_266 : memref<1x1x128x32xf32, #tpu.memory_space<hbm>> -> memref<128x32xf32, #tpu.memory_space<hbm>>
      %dma_start3A_268 = arith.constant 0 : i32
      %dma_start3A_269 = arith.constant 0 : i32
      %dma_start3A_270 = tpu.memref_slice %arg4[%add3A, %run_scoped3A_139, %dma_start3A_268, %dma_start3A_269] : memref<32x104x128x32xf32, #tpu.memory_space<hbm>> -> memref<1x1x128x32xf32, #tpu.memory_space<hbm>>
      %dma_start3A_271 = tpu.memref_squeeze %dma_start3A_270 : memref<1x1x128x32xf32, #tpu.memory_space<hbm>> -> memref<128x32xf32, #tpu.memory_space<hbm>>
      %dma_start3A_272 = arith.constant 0 : i32
      %dma_start3A_273 = arith.constant 0 : i32
      %dma_start3A_274 = tpu.memref_slice %arg6[%run_scoped3A, %dma_start3A_272, %dma_start3A_273] : memref<8x128x32xf32, #tpu.memory_space<vmem>> -> memref<1x128x32xf32, #tpu.memory_space<vmem>>
      %dma_start3A_275 = tpu.memref_squeeze %dma_start3A_274 : memref<1x128x32xf32, #tpu.memory_space<vmem>> -> memref<128x32xf32, #tpu.memory_space<vmem>>
      tpu.enqueue_dma source(%dma_start3A_275 : memref<128x32xf32, #tpu.memory_space<vmem>>) target(%dma_start3A_271 : memref<128x32xf32, #tpu.memory_space<hbm>>) target_semaphore(%run_scoped3A_259 : memref<!tpu.dma_semaphore, #tpu.memory_space<semaphore_mem>>)
      %dma_wait3A_276 = arith.constant 0 : i32
      %dma_wait3A_277 = arith.constant 0 : i32
      %dma_wait3A_278 = tpu.memref_slice %arg6[%run_scoped3A, %dma_wait3A_276, %dma_wait3A_277] : memref<8x128x32xf32, #tpu.memory_space<vmem>> -> memref<1x128x32xf32, #tpu.memory_space<vmem>>
      %dma_wait3A_279 = tpu.memref_squeeze %dma_wait3A_278 : memref<1x128x32xf32, #tpu.memory_space<vmem>> -> memref<128x32xf32, #tpu.memory_space<vmem>>
      %dma_wait3A_280 = arith.constant 0 : i32
      %dma_wait3A_281 = arith.constant 0 : i32
      %dma_wait3A_282 = tpu.memref_slice %arg4[%add3A, %run_scoped3A_139, %dma_wait3A_280, %dma_wait3A_281] : memref<32x104x128x32xf32, #tpu.memory_space<hbm>> -> memref<1x1x128x32xf32, #tpu.memory_space<hbm>>
      %dma_wait3A_283 = tpu.memref_squeeze %dma_wait3A_282 : memref<1x1x128x32xf32, #tpu.memory_space<hbm>> -> memref<128x32xf32, #tpu.memory_space<hbm>>
      %dma_wait3A_284 = arith.constant 0 : i32
      %dma_wait3A_285 = arith.constant 0 : i32
      %dma_wait3A_286 = tpu.memref_slice %arg4[%add3A, %run_scoped3A_139, %dma_wait3A_284, %dma_wait3A_285] : memref<32x104x128x32xf32, #tpu.memory_space<hbm>> -> memref<1x1x128x32xf32, #tpu.memory_space<hbm>>
      %dma_wait3A_287 = tpu.memref_squeeze %dma_wait3A_286 : memref<1x1x128x32xf32, #tpu.memory_space<hbm>> -> memref<128x32xf32, #tpu.memory_space<hbm>>
      %dma_wait3A_288 = arith.constant 0 : i32
      %dma_wait3A_289 = arith.constant 0 : i32
      %dma_wait3A_290 = tpu.memref_slice %arg6[%run_scoped3A, %dma_wait3A_288, %dma_wait3A_289] : memref<8x128x32xf32, #tpu.memory_space<vmem>> -> memref<1x128x32xf32, #tpu.memory_space<vmem>>
      %dma_wait3A_291 = tpu.memref_squeeze %dma_wait3A_290 : memref<1x128x32xf32, #tpu.memory_space<vmem>> -> memref<128x32xf32, #tpu.memory_space<vmem>>
      tpu.wait_dma2 semaphore(%run_scoped3A_259 : memref<!tpu.dma_semaphore, #tpu.memory_space<semaphore_mem>>) src(%dma_wait3A_291 : memref<128x32xf32, #tpu.memory_space<vmem>>) dst(%dma_wait3A_287 : memref<128x32xf32, #tpu.memory_space<hbm>>)
      tpu.yield
    }) : () -> ()
    %dma_wait3A_140 = arith.constant 97 : i32
    %dma_wait3A_141 = arith.constant 1 : i32
    %dma_wait3A_142 = arith.constant 1 : i32
    %dma_wait3A_143 = arith.constant 0 : i32
    %dma_wait3A_144 = arith.constant 0 : i32
    %dma_wait3A_145 = tpu.memref_slice %arg6[%dma_wait3A_141, %dma_wait3A_143, %dma_wait3A_144] : memref<8x128x32xf32, #tpu.memory_space<vmem>> -> memref<1x128x32xf32, #tpu.memory_space<vmem>>
    %dma_wait3A_146 = tpu.memref_squeeze %dma_wait3A_145 : memref<1x128x32xf32, #tpu.memory_space<vmem>> -> memref<128x32xf32, #tpu.memory_space<vmem>>
    %dma_wait3A_147 = arith.constant 0 : i32
    %dma_wait3A_148 = tpu.memref_slice %arg5[%dma_wait3A_140, %dma_wait3A_147] : memref<104x128xi32, #tpu.memory_space<vmem>> -> memref<1x128xi32, #tpu.memory_space<vmem>>
    %dma_wait3A_149 = tpu.memref_squeeze %dma_wait3A_148 : memref<1x128xi32, #tpu.memory_space<vmem>> -> memref<128xi32, #tpu.memory_space<vmem>>
    %dma_wait3A_150 = arith.constant 0 : i32
    %dma_wait3A_151 = arith.constant 0 : i32
    %dma_wait3A_152 = tpu.memref_slice %arg2[%dma_wait3A_150, %dma_wait3A_151] : memref<1000000x32xf32, #tpu.memory_space<hbm>> -> memref<1000000x32xf32, #tpu.memory_space<hbm>>
    %dma_wait3A_153 = tpu.memref_slice %arg7[%dma_wait3A_142] : memref<8x!tpu.dma_semaphore, #tpu.memory_space<semaphore_mem>> -> memref<1x!tpu.dma_semaphore, #tpu.memory_space<semaphore_mem>>
    %dma_wait3A_154 = tpu.memref_squeeze %dma_wait3A_153 : memref<1x!tpu.dma_semaphore, #tpu.memory_space<semaphore_mem>> -> memref<!tpu.dma_semaphore, #tpu.memory_space<semaphore_mem>>
    tpu.wait_indirect_dma semaphore(%dma_wait3A_154 : memref<!tpu.dma_semaphore, #tpu.memory_space<semaphore_mem>>) src(%dma_wait3A_152 : memref<1000000x32xf32, #tpu.memory_space<hbm>>) dst(%dma_wait3A_146 : memref<128x32xf32, #tpu.memory_space<vmem>>)
    %run_scoped3A_155 = arith.constant 1 : i32
    %run_scoped3A_156 = arith.constant 97 : i32
    "tpu.region"() ({
      %run_scoped3A_259 = tpu.sem_alloc : memref<!tpu.dma_semaphore, #tpu.memory_space<semaphore_mem>>
      %dma_start3A_260 = arith.constant 0 : i32
      %dma_start3A_261 = arith.constant 0 : i32
      %dma_start3A_262 = tpu.memref_slice %arg6[%run_scoped3A_155, %dma_start3A_260, %dma_start3A_261] : memref<8x128x32xf32, #tpu.memory_space<vmem>> -> memref<1x128x32xf32, #tpu.memory_space<vmem>>
      %dma_start3A_263 = tpu.memref_squeeze %dma_start3A_262 : memref<1x128x32xf32, #tpu.memory_space<vmem>> -> memref<128x32xf32, #tpu.memory_space<vmem>>
      %dma_start3A_264 = arith.constant 0 : i32
      %dma_start3A_265 = arith.constant 0 : i32
      %dma_start3A_266 = tpu.memref_slice %arg4[%add3A, %run_scoped3A_156, %dma_start3A_264, %dma_start3A_265] : memref<32x104x128x32xf32, #tpu.memory_space<hbm>> -> memref<1x1x128x32xf32, #tpu.memory_space<hbm>>
      %dma_start3A_267 = tpu.memref_squeeze %dma_start3A_266 : memref<1x1x128x32xf32, #tpu.memory_space<hbm>> -> memref<128x32xf32, #tpu.memory_space<hbm>>
      %dma_start3A_268 = arith.constant 0 : i32
      %dma_start3A_269 = arith.constant 0 : i32
      %dma_start3A_270 = tpu.memref_slice %arg4[%add3A, %run_scoped3A_156, %dma_start3A_268, %dma_start3A_269] : memref<32x104x128x32xf32, #tpu.memory_space<hbm>> -> memref<1x1x128x32xf32, #tpu.memory_space<hbm>>
      %dma_start3A_271 = tpu.memref_squeeze %dma_start3A_270 : memref<1x1x128x32xf32, #tpu.memory_space<hbm>> -> memref<128x32xf32, #tpu.memory_space<hbm>>
      %dma_start3A_272 = arith.constant 0 : i32
      %dma_start3A_273 = arith.constant 0 : i32
      %dma_start3A_274 = tpu.memref_slice %arg6[%run_scoped3A_155, %dma_start3A_272, %dma_start3A_273] : memref<8x128x32xf32, #tpu.memory_space<vmem>> -> memref<1x128x32xf32, #tpu.memory_space<vmem>>
      %dma_start3A_275 = tpu.memref_squeeze %dma_start3A_274 : memref<1x128x32xf32, #tpu.memory_space<vmem>> -> memref<128x32xf32, #tpu.memory_space<vmem>>
      tpu.enqueue_dma source(%dma_start3A_275 : memref<128x32xf32, #tpu.memory_space<vmem>>) target(%dma_start3A_271 : memref<128x32xf32, #tpu.memory_space<hbm>>) target_semaphore(%run_scoped3A_259 : memref<!tpu.dma_semaphore, #tpu.memory_space<semaphore_mem>>)
      %dma_wait3A_276 = arith.constant 0 : i32
      %dma_wait3A_277 = arith.constant 0 : i32
      %dma_wait3A_278 = tpu.memref_slice %arg6[%run_scoped3A_155, %dma_wait3A_276, %dma_wait3A_277] : memref<8x128x32xf32, #tpu.memory_space<vmem>> -> memref<1x128x32xf32, #tpu.memory_space<vmem>>
      %dma_wait3A_279 = tpu.memref_squeeze %dma_wait3A_278 : memref<1x128x32xf32, #tpu.memory_space<vmem>> -> memref<128x32xf32, #tpu.memory_space<vmem>>
      %dma_wait3A_280 = arith.constant 0 : i32
      %dma_wait3A_281 = arith.constant 0 : i32
      %dma_wait3A_282 = tpu.memref_slice %arg4[%add3A, %run_scoped3A_156, %dma_wait3A_280, %dma_wait3A_281] : memref<32x104x128x32xf32, #tpu.memory_space<hbm>> -> memref<1x1x128x32xf32, #tpu.memory_space<hbm>>
      %dma_wait3A_283 = tpu.memref_squeeze %dma_wait3A_282 : memref<1x1x128x32xf32, #tpu.memory_space<hbm>> -> memref<128x32xf32, #tpu.memory_space<hbm>>
      %dma_wait3A_284 = arith.constant 0 : i32
      %dma_wait3A_285 = arith.constant 0 : i32
      %dma_wait3A_286 = tpu.memref_slice %arg4[%add3A, %run_scoped3A_156, %dma_wait3A_284, %dma_wait3A_285] : memref<32x104x128x32xf32, #tpu.memory_space<hbm>> -> memref<1x1x128x32xf32, #tpu.memory_space<hbm>>
      %dma_wait3A_287 = tpu.memref_squeeze %dma_wait3A_286 : memref<1x1x128x32xf32, #tpu.memory_space<hbm>> -> memref<128x32xf32, #tpu.memory_space<hbm>>
      %dma_wait3A_288 = arith.constant 0 : i32
      %dma_wait3A_289 = arith.constant 0 : i32
      %dma_wait3A_290 = tpu.memref_slice %arg6[%run_scoped3A_155, %dma_wait3A_288, %dma_wait3A_289] : memref<8x128x32xf32, #tpu.memory_space<vmem>> -> memref<1x128x32xf32, #tpu.memory_space<vmem>>
      %dma_wait3A_291 = tpu.memref_squeeze %dma_wait3A_290 : memref<1x128x32xf32, #tpu.memory_space<vmem>> -> memref<128x32xf32, #tpu.memory_space<vmem>>
      tpu.wait_dma2 semaphore(%run_scoped3A_259 : memref<!tpu.dma_semaphore, #tpu.memory_space<semaphore_mem>>) src(%dma_wait3A_291 : memref<128x32xf32, #tpu.memory_space<vmem>>) dst(%dma_wait3A_287 : memref<128x32xf32, #tpu.memory_space<hbm>>)
      tpu.yield
    }) : () -> ()
    %dma_wait3A_157 = arith.constant 98 : i32
    %dma_wait3A_158 = arith.constant 2 : i32
    %dma_wait3A_159 = arith.constant 2 : i32
    %dma_wait3A_160 = arith.constant 0 : i32
    %dma_wait3A_161 = arith.constant 0 : i32
    %dma_wait3A_162 = tpu.memref_slice %arg6[%dma_wait3A_158, %dma_wait3A_160, %dma_wait3A_161] : memref<8x128x32xf32, #tpu.memory_space<vmem>> -> memref<1x128x32xf32, #tpu.memory_space<vmem>>
    %dma_wait3A_163 = tpu.memref_squeeze %dma_wait3A_162 : memref<1x128x32xf32, #tpu.memory_space<vmem>> -> memref<128x32xf32, #tpu.memory_space<vmem>>
    %dma_wait3A_164 = arith.constant 0 : i32
    %dma_wait3A_165 = tpu.memref_slice %arg5[%dma_wait3A_157, %dma_wait3A_164] : memref<104x128xi32, #tpu.memory_space<vmem>> -> memref<1x128xi32, #tpu.memory_space<vmem>>
    %dma_wait3A_166 = tpu.memref_squeeze %dma_wait3A_165 : memref<1x128xi32, #tpu.memory_space<vmem>> -> memref<128xi32, #tpu.memory_space<vmem>>
    %dma_wait3A_167 = arith.constant 0 : i32
    %dma_wait3A_168 = arith.constant 0 : i32
    %dma_wait3A_169 = tpu.memref_slice %arg2[%dma_wait3A_167, %dma_wait3A_168] : memref<1000000x32xf32, #tpu.memory_space<hbm>> -> memref<1000000x32xf32, #tpu.memory_space<hbm>>
    %dma_wait3A_170 = tpu.memref_slice %arg7[%dma_wait3A_159] : memref<8x!tpu.dma_semaphore, #tpu.memory_space<semaphore_mem>> -> memref<1x!tpu.dma_semaphore, #tpu.memory_space<semaphore_mem>>
    %dma_wait3A_171 = tpu.memref_squeeze %dma_wait3A_170 : memref<1x!tpu.dma_semaphore, #tpu.memory_space<semaphore_mem>> -> memref<!tpu.dma_semaphore, #tpu.memory_space<semaphore_mem>>
    tpu.wait_indirect_dma semaphore(%dma_wait3A_171 : memref<!tpu.dma_semaphore, #tpu.memory_space<semaphore_mem>>) src(%dma_wait3A_169 : memref<1000000x32xf32, #tpu.memory_space<hbm>>) dst(%dma_wait3A_163 : memref<128x32xf32, #tpu.memory_space<vmem>>)
    %run_scoped3A_172 = arith.constant 2 : i32
    %run_scoped3A_173 = arith.constant 98 : i32
    "tpu.region"() ({
      %run_scoped3A_259 = tpu.sem_alloc : memref<!tpu.dma_semaphore, #tpu.memory_space<semaphore_mem>>
      %dma_start3A_260 = arith.constant 0 : i32
      %dma_start3A_261 = arith.constant 0 : i32
      %dma_start3A_262 = tpu.memref_slice %arg6[%run_scoped3A_172, %dma_start3A_260, %dma_start3A_261] : memref<8x128x32xf32, #tpu.memory_space<vmem>> -> memref<1x128x32xf32, #tpu.memory_space<vmem>>
      %dma_start3A_263 = tpu.memref_squeeze %dma_start3A_262 : memref<1x128x32xf32, #tpu.memory_space<vmem>> -> memref<128x32xf32, #tpu.memory_space<vmem>>
      %dma_start3A_264 = arith.constant 0 : i32
      %dma_start3A_265 = arith.constant 0 : i32
      %dma_start3A_266 = tpu.memref_slice %arg4[%add3A, %run_scoped3A_173, %dma_start3A_264, %dma_start3A_265] : memref<32x104x128x32xf32, #tpu.memory_space<hbm>> -> memref<1x1x128x32xf32, #tpu.memory_space<hbm>>
      %dma_start3A_267 = tpu.memref_squeeze %dma_start3A_266 : memref<1x1x128x32xf32, #tpu.memory_space<hbm>> -> memref<128x32xf32, #tpu.memory_space<hbm>>
      %dma_start3A_268 = arith.constant 0 : i32
      %dma_start3A_269 = arith.constant 0 : i32
      %dma_start3A_270 = tpu.memref_slice %arg4[%add3A, %run_scoped3A_173, %dma_start3A_268, %dma_start3A_269] : memref<32x104x128x32xf32, #tpu.memory_space<hbm>> -> memref<1x1x128x32xf32, #tpu.memory_space<hbm>>
      %dma_start3A_271 = tpu.memref_squeeze %dma_start3A_270 : memref<1x1x128x32xf32, #tpu.memory_space<hbm>> -> memref<128x32xf32, #tpu.memory_space<hbm>>
      %dma_start3A_272 = arith.constant 0 : i32
      %dma_start3A_273 = arith.constant 0 : i32
      %dma_start3A_274 = tpu.memref_slice %arg6[%run_scoped3A_172, %dma_start3A_272, %dma_start3A_273] : memref<8x128x32xf32, #tpu.memory_space<vmem>> -> memref<1x128x32xf32, #tpu.memory_space<vmem>>
      %dma_start3A_275 = tpu.memref_squeeze %dma_start3A_274 : memref<1x128x32xf32, #tpu.memory_space<vmem>> -> memref<128x32xf32, #tpu.memory_space<vmem>>
      tpu.enqueue_dma source(%dma_start3A_275 : memref<128x32xf32, #tpu.memory_space<vmem>>) target(%dma_start3A_271 : memref<128x32xf32, #tpu.memory_space<hbm>>) target_semaphore(%run_scoped3A_259 : memref<!tpu.dma_semaphore, #tpu.memory_space<semaphore_mem>>)
      %dma_wait3A_276 = arith.constant 0 : i32
      %dma_wait3A_277 = arith.constant 0 : i32
      %dma_wait3A_278 = tpu.memref_slice %arg6[%run_scoped3A_172, %dma_wait3A_276, %dma_wait3A_277] : memref<8x128x32xf32, #tpu.memory_space<vmem>> -> memref<1x128x32xf32, #tpu.memory_space<vmem>>
      %dma_wait3A_279 = tpu.memref_squeeze %dma_wait3A_278 : memref<1x128x32xf32, #tpu.memory_space<vmem>> -> memref<128x32xf32, #tpu.memory_space<vmem>>
      %dma_wait3A_280 = arith.constant 0 : i32
      %dma_wait3A_281 = arith.constant 0 : i32
      %dma_wait3A_282 = tpu.memref_slice %arg4[%add3A, %run_scoped3A_173, %dma_wait3A_280, %dma_wait3A_281] : memref<32x104x128x32xf32, #tpu.memory_space<hbm>> -> memref<1x1x128x32xf32, #tpu.memory_space<hbm>>
      %dma_wait3A_283 = tpu.memref_squeeze %dma_wait3A_282 : memref<1x1x128x32xf32, #tpu.memory_space<hbm>> -> memref<128x32xf32, #tpu.memory_space<hbm>>
      %dma_wait3A_284 = arith.constant 0 : i32
      %dma_wait3A_285 = arith.constant 0 : i32
      %dma_wait3A_286 = tpu.memref_slice %arg4[%add3A, %run_scoped3A_173, %dma_wait3A_284, %dma_wait3A_285] : memref<32x104x128x32xf32, #tpu.memory_space<hbm>> -> memref<1x1x128x32xf32, #tpu.memory_space<hbm>>
      %dma_wait3A_287 = tpu.memref_squeeze %dma_wait3A_286 : memref<1x1x128x32xf32, #tpu.memory_space<hbm>> -> memref<128x32xf32, #tpu.memory_space<hbm>>
      %dma_wait3A_288 = arith.constant 0 : i32
      %dma_wait3A_289 = arith.constant 0 : i32
      %dma_wait3A_290 = tpu.memref_slice %arg6[%run_scoped3A_172, %dma_wait3A_288, %dma_wait3A_289] : memref<8x128x32xf32, #tpu.memory_space<vmem>> -> memref<1x128x32xf32, #tpu.memory_space<vmem>>
      %dma_wait3A_291 = tpu.memref_squeeze %dma_wait3A_290 : memref<1x128x32xf32, #tpu.memory_space<vmem>> -> memref<128x32xf32, #tpu.memory_space<vmem>>
      tpu.wait_dma2 semaphore(%run_scoped3A_259 : memref<!tpu.dma_semaphore, #tpu.memory_space<semaphore_mem>>) src(%dma_wait3A_291 : memref<128x32xf32, #tpu.memory_space<vmem>>) dst(%dma_wait3A_287 : memref<128x32xf32, #tpu.memory_space<hbm>>)
      tpu.yield
    }) : () -> ()
    %dma_wait3A_174 = arith.constant 99 : i32
    %dma_wait3A_175 = arith.constant 3 : i32
    %dma_wait3A_176 = arith.constant 3 : i32
    %dma_wait3A_177 = arith.constant 0 : i32
    %dma_wait3A_178 = arith.constant 0 : i32
    %dma_wait3A_179 = tpu.memref_slice %arg6[%dma_wait3A_175, %dma_wait3A_177, %dma_wait3A_178] : memref<8x128x32xf32, #tpu.memory_space<vmem>> -> memref<1x128x32xf32, #tpu.memory_space<vmem>>
    %dma_wait3A_180 = tpu.memref_squeeze %dma_wait3A_179 : memref<1x128x32xf32, #tpu.memory_space<vmem>> -> memref<128x32xf32, #tpu.memory_space<vmem>>
    %dma_wait3A_181 = arith.constant 0 : i32
    %dma_wait3A_182 = tpu.memref_slice %arg5[%dma_wait3A_174, %dma_wait3A_181] : memref<104x128xi32, #tpu.memory_space<vmem>> -> memref<1x128xi32, #tpu.memory_space<vmem>>
    %dma_wait3A_183 = tpu.memref_squeeze %dma_wait3A_182 : memref<1x128xi32, #tpu.memory_space<vmem>> -> memref<128xi32, #tpu.memory_space<vmem>>
    %dma_wait3A_184 = arith.constant 0 : i32
    %dma_wait3A_185 = arith.constant 0 : i32
    %dma_wait3A_186 = tpu.memref_slice %arg2[%dma_wait3A_184, %dma_wait3A_185] : memref<1000000x32xf32, #tpu.memory_space<hbm>> -> memref<1000000x32xf32, #tpu.memory_space<hbm>>
    %dma_wait3A_187 = tpu.memref_slice %arg7[%dma_wait3A_176] : memref<8x!tpu.dma_semaphore, #tpu.memory_space<semaphore_mem>> -> memref<1x!tpu.dma_semaphore, #tpu.memory_space<semaphore_mem>>
    %dma_wait3A_188 = tpu.memref_squeeze %dma_wait3A_187 : memref<1x!tpu.dma_semaphore, #tpu.memory_space<semaphore_mem>> -> memref<!tpu.dma_semaphore, #tpu.memory_space<semaphore_mem>>
    tpu.wait_indirect_dma semaphore(%dma_wait3A_188 : memref<!tpu.dma_semaphore, #tpu.memory_space<semaphore_mem>>) src(%dma_wait3A_186 : memref<1000000x32xf32, #tpu.memory_space<hbm>>) dst(%dma_wait3A_180 : memref<128x32xf32, #tpu.memory_space<vmem>>)
    %run_scoped3A_189 = arith.constant 3 : i32
    %run_scoped3A_190 = arith.constant 99 : i32
    "tpu.region"() ({
      %run_scoped3A_259 = tpu.sem_alloc : memref<!tpu.dma_semaphore, #tpu.memory_space<semaphore_mem>>
      %dma_start3A_260 = arith.constant 0 : i32
      %dma_start3A_261 = arith.constant 0 : i32
      %dma_start3A_262 = tpu.memref_slice %arg6[%run_scoped3A_189, %dma_start3A_260, %dma_start3A_261] : memref<8x128x32xf32, #tpu.memory_space<vmem>> -> memref<1x128x32xf32, #tpu.memory_space<vmem>>
      %dma_start3A_263 = tpu.memref_squeeze %dma_start3A_262 : memref<1x128x32xf32, #tpu.memory_space<vmem>> -> memref<128x32xf32, #tpu.memory_space<vmem>>
      %dma_start3A_264 = arith.constant 0 : i32
      %dma_start3A_265 = arith.constant 0 : i32
      %dma_start3A_266 = tpu.memref_slice %arg4[%add3A, %run_scoped3A_190, %dma_start3A_264, %dma_start3A_265] : memref<32x104x128x32xf32, #tpu.memory_space<hbm>> -> memref<1x1x128x32xf32, #tpu.memory_space<hbm>>
      %dma_start3A_267 = tpu.memref_squeeze %dma_start3A_266 : memref<1x1x128x32xf32, #tpu.memory_space<hbm>> -> memref<128x32xf32, #tpu.memory_space<hbm>>
      %dma_start3A_268 = arith.constant 0 : i32
      %dma_start3A_269 = arith.constant 0 : i32
      %dma_start3A_270 = tpu.memref_slice %arg4[%add3A, %run_scoped3A_190, %dma_start3A_268, %dma_start3A_269] : memref<32x104x128x32xf32, #tpu.memory_space<hbm>> -> memref<1x1x128x32xf32, #tpu.memory_space<hbm>>
      %dma_start3A_271 = tpu.memref_squeeze %dma_start3A_270 : memref<1x1x128x32xf32, #tpu.memory_space<hbm>> -> memref<128x32xf32, #tpu.memory_space<hbm>>
      %dma_start3A_272 = arith.constant 0 : i32
      %dma_start3A_273 = arith.constant 0 : i32
      %dma_start3A_274 = tpu.memref_slice %arg6[%run_scoped3A_189, %dma_start3A_272, %dma_start3A_273] : memref<8x128x32xf32, #tpu.memory_space<vmem>> -> memref<1x128x32xf32, #tpu.memory_space<vmem>>
      %dma_start3A_275 = tpu.memref_squeeze %dma_start3A_274 : memref<1x128x32xf32, #tpu.memory_space<vmem>> -> memref<128x32xf32, #tpu.memory_space<vmem>>
      tpu.enqueue_dma source(%dma_start3A_275 : memref<128x32xf32, #tpu.memory_space<vmem>>) target(%dma_start3A_271 : memref<128x32xf32, #tpu.memory_space<hbm>>) target_semaphore(%run_scoped3A_259 : memref<!tpu.dma_semaphore, #tpu.memory_space<semaphore_mem>>)
      %dma_wait3A_276 = arith.constant 0 : i32
      %dma_wait3A_277 = arith.constant 0 : i32
      %dma_wait3A_278 = tpu.memref_slice %arg6[%run_scoped3A_189, %dma_wait3A_276, %dma_wait3A_277] : memref<8x128x32xf32, #tpu.memory_space<vmem>> -> memref<1x128x32xf32, #tpu.memory_space<vmem>>
      %dma_wait3A_279 = tpu.memref_squeeze %dma_wait3A_278 : memref<1x128x32xf32, #tpu.memory_space<vmem>> -> memref<128x32xf32, #tpu.memory_space<vmem>>
      %dma_wait3A_280 = arith.constant 0 : i32
      %dma_wait3A_281 = arith.constant 0 : i32
      %dma_wait3A_282 = tpu.memref_slice %arg4[%add3A, %run_scoped3A_190, %dma_wait3A_280, %dma_wait3A_281] : memref<32x104x128x32xf32, #tpu.memory_space<hbm>> -> memref<1x1x128x32xf32, #tpu.memory_space<hbm>>
      %dma_wait3A_283 = tpu.memref_squeeze %dma_wait3A_282 : memref<1x1x128x32xf32, #tpu.memory_space<hbm>> -> memref<128x32xf32, #tpu.memory_space<hbm>>
      %dma_wait3A_284 = arith.constant 0 : i32
      %dma_wait3A_285 = arith.constant 0 : i32
      %dma_wait3A_286 = tpu.memref_slice %arg4[%add3A, %run_scoped3A_190, %dma_wait3A_284, %dma_wait3A_285] : memref<32x104x128x32xf32, #tpu.memory_space<hbm>> -> memref<1x1x128x32xf32, #tpu.memory_space<hbm>>
      %dma_wait3A_287 = tpu.memref_squeeze %dma_wait3A_286 : memref<1x1x128x32xf32, #tpu.memory_space<hbm>> -> memref<128x32xf32, #tpu.memory_space<hbm>>
      %dma_wait3A_288 = arith.constant 0 : i32
      %dma_wait3A_289 = arith.constant 0 : i32
      %dma_wait3A_290 = tpu.memref_slice %arg6[%run_scoped3A_189, %dma_wait3A_288, %dma_wait3A_289] : memref<8x128x32xf32, #tpu.memory_space<vmem>> -> memref<1x128x32xf32, #tpu.memory_space<vmem>>
      %dma_wait3A_291 = tpu.memref_squeeze %dma_wait3A_290 : memref<1x128x32xf32, #tpu.memory_space<vmem>> -> memref<128x32xf32, #tpu.memory_space<vmem>>
      tpu.wait_dma2 semaphore(%run_scoped3A_259 : memref<!tpu.dma_semaphore, #tpu.memory_space<semaphore_mem>>) src(%dma_wait3A_291 : memref<128x32xf32, #tpu.memory_space<vmem>>) dst(%dma_wait3A_287 : memref<128x32xf32, #tpu.memory_space<hbm>>)
      tpu.yield
    }) : () -> ()
    %dma_wait3A_191 = arith.constant 100 : i32
    %dma_wait3A_192 = arith.constant 4 : i32
    %dma_wait3A_193 = arith.constant 4 : i32
    %dma_wait3A_194 = arith.constant 0 : i32
    %dma_wait3A_195 = arith.constant 0 : i32
    %dma_wait3A_196 = tpu.memref_slice %arg6[%dma_wait3A_192, %dma_wait3A_194, %dma_wait3A_195] : memref<8x128x32xf32, #tpu.memory_space<vmem>> -> memref<1x128x32xf32, #tpu.memory_space<vmem>>
    %dma_wait3A_197 = tpu.memref_squeeze %dma_wait3A_196 : memref<1x128x32xf32, #tpu.memory_space<vmem>> -> memref<128x32xf32, #tpu.memory_space<vmem>>
    %dma_wait3A_198 = arith.constant 0 : i32
    %dma_wait3A_199 = tpu.memref_slice %arg5[%dma_wait3A_191, %dma_wait3A_198] : memref<104x128xi32, #tpu.memory_space<vmem>> -> memref<1x128xi32, #tpu.memory_space<vmem>>
    %dma_wait3A_200 = tpu.memref_squeeze %dma_wait3A_199 : memref<1x128xi32, #tpu.memory_space<vmem>> -> memref<128xi32, #tpu.memory_space<vmem>>
    %dma_wait3A_201 = arith.constant 0 : i32
    %dma_wait3A_202 = arith.constant 0 : i32
    %dma_wait3A_203 = tpu.memref_slice %arg2[%dma_wait3A_201, %dma_wait3A_202] : memref<1000000x32xf32, #tpu.memory_space<hbm>> -> memref<1000000x32xf32, #tpu.memory_space<hbm>>
    %dma_wait3A_204 = tpu.memref_slice %arg7[%dma_wait3A_193] : memref<8x!tpu.dma_semaphore, #tpu.memory_space<semaphore_mem>> -> memref<1x!tpu.dma_semaphore, #tpu.memory_space<semaphore_mem>>
    %dma_wait3A_205 = tpu.memref_squeeze %dma_wait3A_204 : memref<1x!tpu.dma_semaphore, #tpu.memory_space<semaphore_mem>> -> memref<!tpu.dma_semaphore, #tpu.memory_space<semaphore_mem>>
    tpu.wait_indirect_dma semaphore(%dma_wait3A_205 : memref<!tpu.dma_semaphore, #tpu.memory_space<semaphore_mem>>) src(%dma_wait3A_203 : memref<1000000x32xf32, #tpu.memory_space<hbm>>) dst(%dma_wait3A_197 : memref<128x32xf32, #tpu.memory_space<vmem>>)
    %run_scoped3A_206 = arith.constant 4 : i32
    %run_scoped3A_207 = arith.constant 100 : i32
    "tpu.region"() ({
      %run_scoped3A_259 = tpu.sem_alloc : memref<!tpu.dma_semaphore, #tpu.memory_space<semaphore_mem>>
      %dma_start3A_260 = arith.constant 0 : i32
      %dma_start3A_261 = arith.constant 0 : i32
      %dma_start3A_262 = tpu.memref_slice %arg6[%run_scoped3A_206, %dma_start3A_260, %dma_start3A_261] : memref<8x128x32xf32, #tpu.memory_space<vmem>> -> memref<1x128x32xf32, #tpu.memory_space<vmem>>
      %dma_start3A_263 = tpu.memref_squeeze %dma_start3A_262 : memref<1x128x32xf32, #tpu.memory_space<vmem>> -> memref<128x32xf32, #tpu.memory_space<vmem>>
      %dma_start3A_264 = arith.constant 0 : i32
      %dma_start3A_265 = arith.constant 0 : i32
      %dma_start3A_266 = tpu.memref_slice %arg4[%add3A, %run_scoped3A_207, %dma_start3A_264, %dma_start3A_265] : memref<32x104x128x32xf32, #tpu.memory_space<hbm>> -> memref<1x1x128x32xf32, #tpu.memory_space<hbm>>
      %dma_start3A_267 = tpu.memref_squeeze %dma_start3A_266 : memref<1x1x128x32xf32, #tpu.memory_space<hbm>> -> memref<128x32xf32, #tpu.memory_space<hbm>>
      %dma_start3A_268 = arith.constant 0 : i32
      %dma_start3A_269 = arith.constant 0 : i32
      %dma_start3A_270 = tpu.memref_slice %arg4[%add3A, %run_scoped3A_207, %dma_start3A_268, %dma_start3A_269] : memref<32x104x128x32xf32, #tpu.memory_space<hbm>> -> memref<1x1x128x32xf32, #tpu.memory_space<hbm>>
      %dma_start3A_271 = tpu.memref_squeeze %dma_start3A_270 : memref<1x1x128x32xf32, #tpu.memory_space<hbm>> -> memref<128x32xf32, #tpu.memory_space<hbm>>
      %dma_start3A_272 = arith.constant 0 : i32
      %dma_start3A_273 = arith.constant 0 : i32
      %dma_start3A_274 = tpu.memref_slice %arg6[%run_scoped3A_206, %dma_start3A_272, %dma_start3A_273] : memref<8x128x32xf32, #tpu.memory_space<vmem>> -> memref<1x128x32xf32, #tpu.memory_space<vmem>>
      %dma_start3A_275 = tpu.memref_squeeze %dma_start3A_274 : memref<1x128x32xf32, #tpu.memory_space<vmem>> -> memref<128x32xf32, #tpu.memory_space<vmem>>
      tpu.enqueue_dma source(%dma_start3A_275 : memref<128x32xf32, #tpu.memory_space<vmem>>) target(%dma_start3A_271 : memref<128x32xf32, #tpu.memory_space<hbm>>) target_semaphore(%run_scoped3A_259 : memref<!tpu.dma_semaphore, #tpu.memory_space<semaphore_mem>>)
      %dma_wait3A_276 = arith.constant 0 : i32
      %dma_wait3A_277 = arith.constant 0 : i32
      %dma_wait3A_278 = tpu.memref_slice %arg6[%run_scoped3A_206, %dma_wait3A_276, %dma_wait3A_277] : memref<8x128x32xf32, #tpu.memory_space<vmem>> -> memref<1x128x32xf32, #tpu.memory_space<vmem>>
      %dma_wait3A_279 = tpu.memref_squeeze %dma_wait3A_278 : memref<1x128x32xf32, #tpu.memory_space<vmem>> -> memref<128x32xf32, #tpu.memory_space<vmem>>
      %dma_wait3A_280 = arith.constant 0 : i32
      %dma_wait3A_281 = arith.constant 0 : i32
      %dma_wait3A_282 = tpu.memref_slice %arg4[%add3A, %run_scoped3A_207, %dma_wait3A_280, %dma_wait3A_281] : memref<32x104x128x32xf32, #tpu.memory_space<hbm>> -> memref<1x1x128x32xf32, #tpu.memory_space<hbm>>
      %dma_wait3A_283 = tpu.memref_squeeze %dma_wait3A_282 : memref<1x1x128x32xf32, #tpu.memory_space<hbm>> -> memref<128x32xf32, #tpu.memory_space<hbm>>
      %dma_wait3A_284 = arith.constant 0 : i32
      %dma_wait3A_285 = arith.constant 0 : i32
      %dma_wait3A_286 = tpu.memref_slice %arg4[%add3A, %run_scoped3A_207, %dma_wait3A_284, %dma_wait3A_285] : memref<32x104x128x32xf32, #tpu.memory_space<hbm>> -> memref<1x1x128x32xf32, #tpu.memory_space<hbm>>
      %dma_wait3A_287 = tpu.memref_squeeze %dma_wait3A_286 : memref<1x1x128x32xf32, #tpu.memory_space<hbm>> -> memref<128x32xf32, #tpu.memory_space<hbm>>
      %dma_wait3A_288 = arith.constant 0 : i32
      %dma_wait3A_289 = arith.constant 0 : i32
      %dma_wait3A_290 = tpu.memref_slice %arg6[%run_scoped3A_206, %dma_wait3A_288, %dma_wait3A_289] : memref<8x128x32xf32, #tpu.memory_space<vmem>> -> memref<1x128x32xf32, #tpu.memory_space<vmem>>
      %dma_wait3A_291 = tpu.memref_squeeze %dma_wait3A_290 : memref<1x128x32xf32, #tpu.memory_space<vmem>> -> memref<128x32xf32, #tpu.memory_space<vmem>>
      tpu.wait_dma2 semaphore(%run_scoped3A_259 : memref<!tpu.dma_semaphore, #tpu.memory_space<semaphore_mem>>) src(%dma_wait3A_291 : memref<128x32xf32, #tpu.memory_space<vmem>>) dst(%dma_wait3A_287 : memref<128x32xf32, #tpu.memory_space<hbm>>)
      tpu.yield
    }) : () -> ()
    %dma_wait3A_208 = arith.constant 101 : i32
    %dma_wait3A_209 = arith.constant 5 : i32
    %dma_wait3A_210 = arith.constant 5 : i32
    %dma_wait3A_211 = arith.constant 0 : i32
    %dma_wait3A_212 = arith.constant 0 : i32
    %dma_wait3A_213 = tpu.memref_slice %arg6[%dma_wait3A_209, %dma_wait3A_211, %dma_wait3A_212] : memref<8x128x32xf32, #tpu.memory_space<vmem>> -> memref<1x128x32xf32, #tpu.memory_space<vmem>>
    %dma_wait3A_214 = tpu.memref_squeeze %dma_wait3A_213 : memref<1x128x32xf32, #tpu.memory_space<vmem>> -> memref<128x32xf32, #tpu.memory_space<vmem>>
    %dma_wait3A_215 = arith.constant 0 : i32
    %dma_wait3A_216 = tpu.memref_slice %arg5[%dma_wait3A_208, %dma_wait3A_215] : memref<104x128xi32, #tpu.memory_space<vmem>> -> memref<1x128xi32, #tpu.memory_space<vmem>>
    %dma_wait3A_217 = tpu.memref_squeeze %dma_wait3A_216 : memref<1x128xi32, #tpu.memory_space<vmem>> -> memref<128xi32, #tpu.memory_space<vmem>>
    %dma_wait3A_218 = arith.constant 0 : i32
    %dma_wait3A_219 = arith.constant 0 : i32
    %dma_wait3A_220 = tpu.memref_slice %arg2[%dma_wait3A_218, %dma_wait3A_219] : memref<1000000x32xf32, #tpu.memory_space<hbm>> -> memref<1000000x32xf32, #tpu.memory_space<hbm>>
    %dma_wait3A_221 = tpu.memref_slice %arg7[%dma_wait3A_210] : memref<8x!tpu.dma_semaphore, #tpu.memory_space<semaphore_mem>> -> memref<1x!tpu.dma_semaphore, #tpu.memory_space<semaphore_mem>>
    %dma_wait3A_222 = tpu.memref_squeeze %dma_wait3A_221 : memref<1x!tpu.dma_semaphore, #tpu.memory_space<semaphore_mem>> -> memref<!tpu.dma_semaphore, #tpu.memory_space<semaphore_mem>>
    tpu.wait_indirect_dma semaphore(%dma_wait3A_222 : memref<!tpu.dma_semaphore, #tpu.memory_space<semaphore_mem>>) src(%dma_wait3A_220 : memref<1000000x32xf32, #tpu.memory_space<hbm>>) dst(%dma_wait3A_214 : memref<128x32xf32, #tpu.memory_space<vmem>>)
    %run_scoped3A_223 = arith.constant 5 : i32
    %run_scoped3A_224 = arith.constant 101 : i32
    "tpu.region"() ({
      %run_scoped3A_259 = tpu.sem_alloc : memref<!tpu.dma_semaphore, #tpu.memory_space<semaphore_mem>>
      %dma_start3A_260 = arith.constant 0 : i32
      %dma_start3A_261 = arith.constant 0 : i32
      %dma_start3A_262 = tpu.memref_slice %arg6[%run_scoped3A_223, %dma_start3A_260, %dma_start3A_261] : memref<8x128x32xf32, #tpu.memory_space<vmem>> -> memref<1x128x32xf32, #tpu.memory_space<vmem>>
      %dma_start3A_263 = tpu.memref_squeeze %dma_start3A_262 : memref<1x128x32xf32, #tpu.memory_space<vmem>> -> memref<128x32xf32, #tpu.memory_space<vmem>>
      %dma_start3A_264 = arith.constant 0 : i32
      %dma_start3A_265 = arith.constant 0 : i32
      %dma_start3A_266 = tpu.memref_slice %arg4[%add3A, %run_scoped3A_224, %dma_start3A_264, %dma_start3A_265] : memref<32x104x128x32xf32, #tpu.memory_space<hbm>> -> memref<1x1x128x32xf32, #tpu.memory_space<hbm>>
      %dma_start3A_267 = tpu.memref_squeeze %dma_start3A_266 : memref<1x1x128x32xf32, #tpu.memory_space<hbm>> -> memref<128x32xf32, #tpu.memory_space<hbm>>
      %dma_start3A_268 = arith.constant 0 : i32
      %dma_start3A_269 = arith.constant 0 : i32
      %dma_start3A_270 = tpu.memref_slice %arg4[%add3A, %run_scoped3A_224, %dma_start3A_268, %dma_start3A_269] : memref<32x104x128x32xf32, #tpu.memory_space<hbm>> -> memref<1x1x128x32xf32, #tpu.memory_space<hbm>>
      %dma_start3A_271 = tpu.memref_squeeze %dma_start3A_270 : memref<1x1x128x32xf32, #tpu.memory_space<hbm>> -> memref<128x32xf32, #tpu.memory_space<hbm>>
      %dma_start3A_272 = arith.constant 0 : i32
      %dma_start3A_273 = arith.constant 0 : i32
      %dma_start3A_274 = tpu.memref_slice %arg6[%run_scoped3A_223, %dma_start3A_272, %dma_start3A_273] : memref<8x128x32xf32, #tpu.memory_space<vmem>> -> memref<1x128x32xf32, #tpu.memory_space<vmem>>
      %dma_start3A_275 = tpu.memref_squeeze %dma_start3A_274 : memref<1x128x32xf32, #tpu.memory_space<vmem>> -> memref<128x32xf32, #tpu.memory_space<vmem>>
      tpu.enqueue_dma source(%dma_start3A_275 : memref<128x32xf32, #tpu.memory_space<vmem>>) target(%dma_start3A_271 : memref<128x32xf32, #tpu.memory_space<hbm>>) target_semaphore(%run_scoped3A_259 : memref<!tpu.dma_semaphore, #tpu.memory_space<semaphore_mem>>)
      %dma_wait3A_276 = arith.constant 0 : i32
      %dma_wait3A_277 = arith.constant 0 : i32
      %dma_wait3A_278 = tpu.memref_slice %arg6[%run_scoped3A_223, %dma_wait3A_276, %dma_wait3A_277] : memref<8x128x32xf32, #tpu.memory_space<vmem>> -> memref<1x128x32xf32, #tpu.memory_space<vmem>>
      %dma_wait3A_279 = tpu.memref_squeeze %dma_wait3A_278 : memref<1x128x32xf32, #tpu.memory_space<vmem>> -> memref<128x32xf32, #tpu.memory_space<vmem>>
      %dma_wait3A_280 = arith.constant 0 : i32
      %dma_wait3A_281 = arith.constant 0 : i32
      %dma_wait3A_282 = tpu.memref_slice %arg4[%add3A, %run_scoped3A_224, %dma_wait3A_280, %dma_wait3A_281] : memref<32x104x128x32xf32, #tpu.memory_space<hbm>> -> memref<1x1x128x32xf32, #tpu.memory_space<hbm>>
      %dma_wait3A_283 = tpu.memref_squeeze %dma_wait3A_282 : memref<1x1x128x32xf32, #tpu.memory_space<hbm>> -> memref<128x32xf32, #tpu.memory_space<hbm>>
      %dma_wait3A_284 = arith.constant 0 : i32
      %dma_wait3A_285 = arith.constant 0 : i32
      %dma_wait3A_286 = tpu.memref_slice %arg4[%add3A, %run_scoped3A_224, %dma_wait3A_284, %dma_wait3A_285] : memref<32x104x128x32xf32, #tpu.memory_space<hbm>> -> memref<1x1x128x32xf32, #tpu.memory_space<hbm>>
      %dma_wait3A_287 = tpu.memref_squeeze %dma_wait3A_286 : memref<1x1x128x32xf32, #tpu.memory_space<hbm>> -> memref<128x32xf32, #tpu.memory_space<hbm>>
      %dma_wait3A_288 = arith.constant 0 : i32
      %dma_wait3A_289 = arith.constant 0 : i32
      %dma_wait3A_290 = tpu.memref_slice %arg6[%run_scoped3A_223, %dma_wait3A_288, %dma_wait3A_289] : memref<8x128x32xf32, #tpu.memory_space<vmem>> -> memref<1x128x32xf32, #tpu.memory_space<vmem>>
      %dma_wait3A_291 = tpu.memref_squeeze %dma_wait3A_290 : memref<1x128x32xf32, #tpu.memory_space<vmem>> -> memref<128x32xf32, #tpu.memory_space<vmem>>
      tpu.wait_dma2 semaphore(%run_scoped3A_259 : memref<!tpu.dma_semaphore, #tpu.memory_space<semaphore_mem>>) src(%dma_wait3A_291 : memref<128x32xf32, #tpu.memory_space<vmem>>) dst(%dma_wait3A_287 : memref<128x32xf32, #tpu.memory_space<hbm>>)
      tpu.yield
    }) : () -> ()
    %dma_wait3A_225 = arith.constant 102 : i32
    %dma_wait3A_226 = arith.constant 6 : i32
    %dma_wait3A_227 = arith.constant 6 : i32
    %dma_wait3A_228 = arith.constant 0 : i32
    %dma_wait3A_229 = arith.constant 0 : i32
    %dma_wait3A_230 = tpu.memref_slice %arg6[%dma_wait3A_226, %dma_wait3A_228, %dma_wait3A_229] : memref<8x128x32xf32, #tpu.memory_space<vmem>> -> memref<1x128x32xf32, #tpu.memory_space<vmem>>
    %dma_wait3A_231 = tpu.memref_squeeze %dma_wait3A_230 : memref<1x128x32xf32, #tpu.memory_space<vmem>> -> memref<128x32xf32, #tpu.memory_space<vmem>>
    %dma_wait3A_232 = arith.constant 0 : i32
    %dma_wait3A_233 = tpu.memref_slice %arg5[%dma_wait3A_225, %dma_wait3A_232] : memref<104x128xi32, #tpu.memory_space<vmem>> -> memref<1x128xi32, #tpu.memory_space<vmem>>
    %dma_wait3A_234 = tpu.memref_squeeze %dma_wait3A_233 : memref<1x128xi32, #tpu.memory_space<vmem>> -> memref<128xi32, #tpu.memory_space<vmem>>
    %dma_wait3A_235 = arith.constant 0 : i32
    %dma_wait3A_236 = arith.constant 0 : i32
    %dma_wait3A_237 = tpu.memref_slice %arg2[%dma_wait3A_235, %dma_wait3A_236] : memref<1000000x32xf32, #tpu.memory_space<hbm>> -> memref<1000000x32xf32, #tpu.memory_space<hbm>>
    %dma_wait3A_238 = tpu.memref_slice %arg7[%dma_wait3A_227] : memref<8x!tpu.dma_semaphore, #tpu.memory_space<semaphore_mem>> -> memref<1x!tpu.dma_semaphore, #tpu.memory_space<semaphore_mem>>
    %dma_wait3A_239 = tpu.memref_squeeze %dma_wait3A_238 : memref<1x!tpu.dma_semaphore, #tpu.memory_space<semaphore_mem>> -> memref<!tpu.dma_semaphore, #tpu.memory_space<semaphore_mem>>
    tpu.wait_indirect_dma semaphore(%dma_wait3A_239 : memref<!tpu.dma_semaphore, #tpu.memory_space<semaphore_mem>>) src(%dma_wait3A_237 : memref<1000000x32xf32, #tpu.memory_space<hbm>>) dst(%dma_wait3A_231 : memref<128x32xf32, #tpu.memory_space<vmem>>)
    %run_scoped3A_240 = arith.constant 6 : i32
    %run_scoped3A_241 = arith.constant 102 : i32
    "tpu.region"() ({
      %run_scoped3A_259 = tpu.sem_alloc : memref<!tpu.dma_semaphore, #tpu.memory_space<semaphore_mem>>
      %dma_start3A_260 = arith.constant 0 : i32
      %dma_start3A_261 = arith.constant 0 : i32
      %dma_start3A_262 = tpu.memref_slice %arg6[%run_scoped3A_240, %dma_start3A_260, %dma_start3A_261] : memref<8x128x32xf32, #tpu.memory_space<vmem>> -> memref<1x128x32xf32, #tpu.memory_space<vmem>>
      %dma_start3A_263 = tpu.memref_squeeze %dma_start3A_262 : memref<1x128x32xf32, #tpu.memory_space<vmem>> -> memref<128x32xf32, #tpu.memory_space<vmem>>
      %dma_start3A_264 = arith.constant 0 : i32
      %dma_start3A_265 = arith.constant 0 : i32
      %dma_start3A_266 = tpu.memref_slice %arg4[%add3A, %run_scoped3A_241, %dma_start3A_264, %dma_start3A_265] : memref<32x104x128x32xf32, #tpu.memory_space<hbm>> -> memref<1x1x128x32xf32, #tpu.memory_space<hbm>>
      %dma_start3A_267 = tpu.memref_squeeze %dma_start3A_266 : memref<1x1x128x32xf32, #tpu.memory_space<hbm>> -> memref<128x32xf32, #tpu.memory_space<hbm>>
      %dma_start3A_268 = arith.constant 0 : i32
      %dma_start3A_269 = arith.constant 0 : i32
      %dma_start3A_270 = tpu.memref_slice %arg4[%add3A, %run_scoped3A_241, %dma_start3A_268, %dma_start3A_269] : memref<32x104x128x32xf32, #tpu.memory_space<hbm>> -> memref<1x1x128x32xf32, #tpu.memory_space<hbm>>
      %dma_start3A_271 = tpu.memref_squeeze %dma_start3A_270 : memref<1x1x128x32xf32, #tpu.memory_space<hbm>> -> memref<128x32xf32, #tpu.memory_space<hbm>>
      %dma_start3A_272 = arith.constant 0 : i32
      %dma_start3A_273 = arith.constant 0 : i32
      %dma_start3A_274 = tpu.memref_slice %arg6[%run_scoped3A_240, %dma_start3A_272, %dma_start3A_273] : memref<8x128x32xf32, #tpu.memory_space<vmem>> -> memref<1x128x32xf32, #tpu.memory_space<vmem>>
      %dma_start3A_275 = tpu.memref_squeeze %dma_start3A_274 : memref<1x128x32xf32, #tpu.memory_space<vmem>> -> memref<128x32xf32, #tpu.memory_space<vmem>>
      tpu.enqueue_dma source(%dma_start3A_275 : memref<128x32xf32, #tpu.memory_space<vmem>>) target(%dma_start3A_271 : memref<128x32xf32, #tpu.memory_space<hbm>>) target_semaphore(%run_scoped3A_259 : memref<!tpu.dma_semaphore, #tpu.memory_space<semaphore_mem>>)
      %dma_wait3A_276 = arith.constant 0 : i32
      %dma_wait3A_277 = arith.constant 0 : i32
      %dma_wait3A_278 = tpu.memref_slice %arg6[%run_scoped3A_240, %dma_wait3A_276, %dma_wait3A_277] : memref<8x128x32xf32, #tpu.memory_space<vmem>> -> memref<1x128x32xf32, #tpu.memory_space<vmem>>
      %dma_wait3A_279 = tpu.memref_squeeze %dma_wait3A_278 : memref<1x128x32xf32, #tpu.memory_space<vmem>> -> memref<128x32xf32, #tpu.memory_space<vmem>>
      %dma_wait3A_280 = arith.constant 0 : i32
      %dma_wait3A_281 = arith.constant 0 : i32
      %dma_wait3A_282 = tpu.memref_slice %arg4[%add3A, %run_scoped3A_241, %dma_wait3A_280, %dma_wait3A_281] : memref<32x104x128x32xf32, #tpu.memory_space<hbm>> -> memref<1x1x128x32xf32, #tpu.memory_space<hbm>>
      %dma_wait3A_283 = tpu.memref_squeeze %dma_wait3A_282 : memref<1x1x128x32xf32, #tpu.memory_space<hbm>> -> memref<128x32xf32, #tpu.memory_space<hbm>>
      %dma_wait3A_284 = arith.constant 0 : i32
      %dma_wait3A_285 = arith.constant 0 : i32
      %dma_wait3A_286 = tpu.memref_slice %arg4[%add3A, %run_scoped3A_241, %dma_wait3A_284, %dma_wait3A_285] : memref<32x104x128x32xf32, #tpu.memory_space<hbm>> -> memref<1x1x128x32xf32, #tpu.memory_space<hbm>>
      %dma_wait3A_287 = tpu.memref_squeeze %dma_wait3A_286 : memref<1x1x128x32xf32, #tpu.memory_space<hbm>> -> memref<128x32xf32, #tpu.memory_space<hbm>>
      %dma_wait3A_288 = arith.constant 0 : i32
      %dma_wait3A_289 = arith.constant 0 : i32
      %dma_wait3A_290 = tpu.memref_slice %arg6[%run_scoped3A_240, %dma_wait3A_288, %dma_wait3A_289] : memref<8x128x32xf32, #tpu.memory_space<vmem>> -> memref<1x128x32xf32, #tpu.memory_space<vmem>>
      %dma_wait3A_291 = tpu.memref_squeeze %dma_wait3A_290 : memref<1x128x32xf32, #tpu.memory_space<vmem>> -> memref<128x32xf32, #tpu.memory_space<vmem>>
      tpu.wait_dma2 semaphore(%run_scoped3A_259 : memref<!tpu.dma_semaphore, #tpu.memory_space<semaphore_mem>>) src(%dma_wait3A_291 : memref<128x32xf32, #tpu.memory_space<vmem>>) dst(%dma_wait3A_287 : memref<128x32xf32, #tpu.memory_space<hbm>>)
      tpu.yield
    }) : () -> ()
    %dma_wait3A_242 = arith.constant 103 : i32
    %dma_wait3A_243 = arith.constant 7 : i32
    %dma_wait3A_244 = arith.constant 7 : i32
    %dma_wait3A_245 = arith.constant 0 : i32
    %dma_wait3A_246 = arith.constant 0 : i32
    %dma_wait3A_247 = tpu.memref_slice %arg6[%dma_wait3A_243, %dma_wait3A_245, %dma_wait3A_246] : memref<8x128x32xf32, #tpu.memory_space<vmem>> -> memref<1x128x32xf32, #tpu.memory_space<vmem>>
    %dma_wait3A_248 = tpu.memref_squeeze %dma_wait3A_247 : memref<1x128x32xf32, #tpu.memory_space<vmem>> -> memref<128x32xf32, #tpu.memory_space<vmem>>
    %dma_wait3A_249 = arith.constant 0 : i32
    %dma_wait3A_250 = tpu.memref_slice %arg5[%dma_wait3A_242, %dma_wait3A_249] : memref<104x128xi32, #tpu.memory_space<vmem>> -> memref<1x128xi32, #tpu.memory_space<vmem>>
    %dma_wait3A_251 = tpu.memref_squeeze %dma_wait3A_250 : memref<1x128xi32, #tpu.memory_space<vmem>> -> memref<128xi32, #tpu.memory_space<vmem>>
    %dma_wait3A_252 = arith.constant 0 : i32
    %dma_wait3A_253 = arith.constant 0 : i32
    %dma_wait3A_254 = tpu.memref_slice %arg2[%dma_wait3A_252, %dma_wait3A_253] : memref<1000000x32xf32, #tpu.memory_space<hbm>> -> memref<1000000x32xf32, #tpu.memory_space<hbm>>
    %dma_wait3A_255 = tpu.memref_slice %arg7[%dma_wait3A_244] : memref<8x!tpu.dma_semaphore, #tpu.memory_space<semaphore_mem>> -> memref<1x!tpu.dma_semaphore, #tpu.memory_space<semaphore_mem>>
    %dma_wait3A_256 = tpu.memref_squeeze %dma_wait3A_255 : memref<1x!tpu.dma_semaphore, #tpu.memory_space<semaphore_mem>> -> memref<!tpu.dma_semaphore, #tpu.memory_space<semaphore_mem>>
    tpu.wait_indirect_dma semaphore(%dma_wait3A_256 : memref<!tpu.dma_semaphore, #tpu.memory_space<semaphore_mem>>) src(%dma_wait3A_254 : memref<1000000x32xf32, #tpu.memory_space<hbm>>) dst(%dma_wait3A_248 : memref<128x32xf32, #tpu.memory_space<vmem>>)
    %run_scoped3A_257 = arith.constant 7 : i32
    %run_scoped3A_258 = arith.constant 103 : i32
    "tpu.region"() ({
      %run_scoped3A_259 = tpu.sem_alloc : memref<!tpu.dma_semaphore, #tpu.memory_space<semaphore_mem>>
      %dma_start3A_260 = arith.constant 0 : i32
      %dma_start3A_261 = arith.constant 0 : i32
      %dma_start3A_262 = tpu.memref_slice %arg6[%run_scoped3A_257, %dma_start3A_260, %dma_start3A_261] : memref<8x128x32xf32, #tpu.memory_space<vmem>> -> memref<1x128x32xf32, #tpu.memory_space<vmem>>
      %dma_start3A_263 = tpu.memref_squeeze %dma_start3A_262 : memref<1x128x32xf32, #tpu.memory_space<vmem>> -> memref<128x32xf32, #tpu.memory_space<vmem>>
      %dma_start3A_264 = arith.constant 0 : i32
      %dma_start3A_265 = arith.constant 0 : i32
      %dma_start3A_266 = tpu.memref_slice %arg4[%add3A, %run_scoped3A_258, %dma_start3A_264, %dma_start3A_265] : memref<32x104x128x32xf32, #tpu.memory_space<hbm>> -> memref<1x1x128x32xf32, #tpu.memory_space<hbm>>
      %dma_start3A_267 = tpu.memref_squeeze %dma_start3A_266 : memref<1x1x128x32xf32, #tpu.memory_space<hbm>> -> memref<128x32xf32, #tpu.memory_space<hbm>>
      %dma_start3A_268 = arith.constant 0 : i32
      %dma_start3A_269 = arith.constant 0 : i32
      %dma_start3A_270 = tpu.memref_slice %arg4[%add3A, %run_scoped3A_258, %dma_start3A_268, %dma_start3A_269] : memref<32x104x128x32xf32, #tpu.memory_space<hbm>> -> memref<1x1x128x32xf32, #tpu.memory_space<hbm>>
      %dma_start3A_271 = tpu.memref_squeeze %dma_start3A_270 : memref<1x1x128x32xf32, #tpu.memory_space<hbm>> -> memref<128x32xf32, #tpu.memory_space<hbm>>
      %dma_start3A_272 = arith.constant 0 : i32
      %dma_start3A_273 = arith.constant 0 : i32
      %dma_start3A_274 = tpu.memref_slice %arg6[%run_scoped3A_257, %dma_start3A_272, %dma_start3A_273] : memref<8x128x32xf32, #tpu.memory_space<vmem>> -> memref<1x128x32xf32, #tpu.memory_space<vmem>>
      %dma_start3A_275 = tpu.memref_squeeze %dma_start3A_274 : memref<1x128x32xf32, #tpu.memory_space<vmem>> -> memref<128x32xf32, #tpu.memory_space<vmem>>
      tpu.enqueue_dma source(%dma_start3A_275 : memref<128x32xf32, #tpu.memory_space<vmem>>) target(%dma_start3A_271 : memref<128x32xf32, #tpu.memory_space<hbm>>) target_semaphore(%run_scoped3A_259 : memref<!tpu.dma_semaphore, #tpu.memory_space<semaphore_mem>>)
      %dma_wait3A_276 = arith.constant 0 : i32
      %dma_wait3A_277 = arith.constant 0 : i32
      %dma_wait3A_278 = tpu.memref_slice %arg6[%run_scoped3A_257, %dma_wait3A_276, %dma_wait3A_277] : memref<8x128x32xf32, #tpu.memory_space<vmem>> -> memref<1x128x32xf32, #tpu.memory_space<vmem>>
      %dma_wait3A_279 = tpu.memref_squeeze %dma_wait3A_278 : memref<1x128x32xf32, #tpu.memory_space<vmem>> -> memref<128x32xf32, #tpu.memory_space<vmem>>
      %dma_wait3A_280 = arith.constant 0 : i32
      %dma_wait3A_281 = arith.constant 0 : i32
      %dma_wait3A_282 = tpu.memref_slice %arg4[%add3A, %run_scoped3A_258, %dma_wait3A_280, %dma_wait3A_281] : memref<32x104x128x32xf32, #tpu.memory_space<hbm>> -> memref<1x1x128x32xf32, #tpu.memory_space<hbm>>
      %dma_wait3A_283 = tpu.memref_squeeze %dma_wait3A_282 : memref<1x1x128x32xf32, #tpu.memory_space<hbm>> -> memref<128x32xf32, #tpu.memory_space<hbm>>
      %dma_wait3A_284 = arith.constant 0 : i32
      %dma_wait3A_285 = arith.constant 0 : i32
      %dma_wait3A_286 = tpu.memref_slice %arg4[%add3A, %run_scoped3A_258, %dma_wait3A_284, %dma_wait3A_285] : memref<32x104x128x32xf32, #tpu.memory_space<hbm>> -> memref<1x1x128x32xf32, #tpu.memory_space<hbm>>
      %dma_wait3A_287 = tpu.memref_squeeze %dma_wait3A_286 : memref<1x1x128x32xf32, #tpu.memory_space<hbm>> -> memref<128x32xf32, #tpu.memory_space<hbm>>
      %dma_wait3A_288 = arith.constant 0 : i32
      %dma_wait3A_289 = arith.constant 0 : i32
      %dma_wait3A_290 = tpu.memref_slice %arg6[%run_scoped3A_257, %dma_wait3A_288, %dma_wait3A_289] : memref<8x128x32xf32, #tpu.memory_space<vmem>> -> memref<1x128x32xf32, #tpu.memory_space<vmem>>
      %dma_wait3A_291 = tpu.memref_squeeze %dma_wait3A_290 : memref<1x128x32xf32, #tpu.memory_space<vmem>> -> memref<128x32xf32, #tpu.memory_space<vmem>>
      tpu.wait_dma2 semaphore(%run_scoped3A_259 : memref<!tpu.dma_semaphore, #tpu.memory_space<semaphore_mem>>) src(%dma_wait3A_291 : memref<128x32xf32, #tpu.memory_space<vmem>>) dst(%dma_wait3A_287 : memref<128x32xf32, #tpu.memory_space<hbm>>)
      tpu.yield
    }) : () -> ()
    return
  }
}

module attributes {stable_mosaic.version = 14 : i64} {
  func.func @body(%arg0: i32, %arg1: memref<32x2048xf32, #tpu.memory_space<vmem>>, %arg2: memref<512x128xf32, #tpu.memory_space<vmem>>) attributes {dimension_semantics = [#tpu.dimension_semantics<arbitrary>], iteration_bounds = array<i64: 489>, scalar_prefetch = 0 : i64, scratch_operands = 0 : i64, tpu.core_type = #tpu.core_type<tc>, window_params = [{transform_indices = @transform_0, window_bounds = array<i64: 32, 2048>}, {transform_indices = @transform_1, window_bounds = array<i64: 512, 128>}]} {
    %get3A = arith.constant 0 : index
    %get3A_0 = arith.constant 0 : index
    %get3A_1 = vector.load %arg1[%get3A, %get3A_0] : memref<32x2048xf32, #tpu.memory_space<vmem>>, vector<32x2048xf32>
    %transpose3A = tpu.transpose %get3A_1, [1, 0] : vector<32x2048xf32> -> vector<2048x32xf32>
    %reshape3A = vector.shape_cast %transpose3A : vector<2048x32xf32> to vector<512x4x32xf32>
    %slice3A = vector.extract_strided_slice %reshape3A {offsets = [0, 0, 0], sizes = [512, 1, 32], strides = [1, 1, 1]} : vector<512x4x32xf32> to vector<512x1x32xf32>
    %squeeze3A = vector.shape_cast %slice3A : vector<512x1x32xf32> to vector<512x32xf32>
    %swap3A = arith.constant 0 : index
    %swap3A_2 = arith.constant 0 : index
    %swap3A_3 = vector.load %arg2[%swap3A, %swap3A_2] : memref<512x128xf32, #tpu.memory_space<vmem>>, vector<512x32xf32>
    tpu.vector_store %arg2[%swap3A, %swap3A_2], %squeeze3A {strides = array<i32>} : memref<512x128xf32, #tpu.memory_space<vmem>>, vector<512x32xf32>,
    %slice3A_4 = vector.extract_strided_slice %reshape3A {offsets = [0, 1, 0], sizes = [512, 1, 32], strides = [1, 1, 1]} : vector<512x4x32xf32> to vector<512x1x32xf32>
    %squeeze3A_5 = vector.shape_cast %slice3A_4 : vector<512x1x32xf32> to vector<512x32xf32>
    %swap3A_6 = arith.constant 0 : index
    %swap3A_7 = arith.constant 32 : index
    %swap3A_8 = vector.load %arg2[%swap3A_6, %swap3A_7] : memref<512x128xf32, #tpu.memory_space<vmem>>, vector<512x32xf32>
    tpu.vector_store %arg2[%swap3A_6, %swap3A_7], %squeeze3A_5 {strides = array<i32>} : memref<512x128xf32, #tpu.memory_space<vmem>>, vector<512x32xf32>,
    %slice3A_9 = vector.extract_strided_slice %reshape3A {offsets = [0, 2, 0], sizes = [512, 1, 32], strides = [1, 1, 1]} : vector<512x4x32xf32> to vector<512x1x32xf32>
    %squeeze3A_10 = vector.shape_cast %slice3A_9 : vector<512x1x32xf32> to vector<512x32xf32>
    %swap3A_11 = arith.constant 0 : index
    %swap3A_12 = arith.constant 64 : index
    %swap3A_13 = vector.load %arg2[%swap3A_11, %swap3A_12] : memref<512x128xf32, #tpu.memory_space<vmem>>, vector<512x32xf32>
    tpu.vector_store %arg2[%swap3A_11, %swap3A_12], %squeeze3A_10 {strides = array<i32>} : memref<512x128xf32, #tpu.memory_space<vmem>>, vector<512x32xf32>,
    %slice3A_14 = vector.extract_strided_slice %reshape3A {offsets = [0, 3, 0], sizes = [512, 1, 32], strides = [1, 1, 1]} : vector<512x4x32xf32> to vector<512x1x32xf32>
    %squeeze3A_15 = vector.shape_cast %slice3A_14 : vector<512x1x32xf32> to vector<512x32xf32>
    %swap3A_16 = arith.constant 0 : index
    %swap3A_17 = arith.constant 96 : index
    %swap3A_18 = vector.load %arg2[%swap3A_16, %swap3A_17] : memref<512x128xf32, #tpu.memory_space<vmem>>, vector<512x32xf32>
    tpu.vector_store %arg2[%swap3A_16, %swap3A_17], %squeeze3A_15 {strides = array<i32>} : memref<512x128xf32, #tpu.memory_space<vmem>>, vector<512x32xf32>,
    return
  }
  func.func @transform_0(%arg0: i32) -> (i32, i32) {
    %c0_i32 = arith.constant 0 : i32
    %c0_i32_0 = arith.constant 0 : i32
    return %c0_i32, %arg0 : i32, i32
  }
  func.func @transform_1(%arg0: i32) -> (i32, i32) {
    %c0_i32 = arith.constant 0 : i32
    %c0_i32_0 = arith.constant 0 : i32
    return %arg0, %c0_i32 : i32, i32
  }
}

</mosaic_0001>

<sc_bundles>
// kernel: kernel.4.cloned.1.call-start
scs
__scs_entry_jumppad:
0x0: {  	(pc) =	sbr.rel $0x88, $3  }
0x1: {  	(tag) =	ssettag $0x0;
	lr =	simm.s32 $0x1  }
0x2: {  	[smem:$0x3F9F] =	sst lr;
	_ =	strace $0xD0000000  }
0x3: {  	_ = 	snop  }
0x4: {  	_ = 	snop  }
0x5: {  	_ = 	snop  }
0x6: {  	_ = 	snop  }
0x7: {  	_ = 	snop  }
__scs_overlays_trampoline_lowered:
0x8: {  	[smem:$0x3FAE] =	sst s0  }
0x9: {  	[smem:$0x3FAF] =	sst s1  }
0xa: {  	[smem:$0x3FB0] =	sst s2  }
0xb: {  	[smem:$0x3FB1] =	sst s3  }
0xc: {  	[smem:$0x3FB2] =	sst s4  }
0xd: {  	[smem:$0x3FB3] =	sst s5  }
0xe: {  	[smem:$0x3FB4] =	sst s6  }
0xf: {  	[smem:$0x3FB5] =	sst s7  }
0x10: {  	[smem:$0x3FB6] =	sst s8  }
0x11: {  	[smem:$0x3FB7] =	sst s9;
	s0 =	simm.s32 @!p0 $0x0  }
0x12: {  	s1 =	sld [smem:$0x3F9D];
	s0 =	simm.s32 @p0 $0x1  }
0x13: {  	[smem:$0x3FB8] =	sst s0;
	s0 =	simm.s32 @!p1 $0x0  }
0x14: {  	s2 =	sld [smem:$0x3F9C];
	s0 =	simm.s32 @p1 $0x1  }
0x15: {  	[smem:$0x3FB9] =	sst s0;
	s0 =	simm.s32 @!p2 $0x0  }
0x16: {  	s3 =	sld [smem:$0x3FDB];
	s0 =	simm.s32 @p2 $0x1  }
0x17: {  	s4 =	simm.s32 $0x1BF5;
	[smem:$0x3FBB] =	sst s0  }
0x18: {  	s0 =	sld [smem:$0x3F9E];
	_ =	swait.ge [sflag:s4], $0x0  }
0x19: {  	s7 =	sld [smem:$0x3F9F]  }
0x1a: {  	s8 =	sadd.s32 $0xFFFFE003, lr  }
0x1b: {  	s9 =	sadd.s32 $0xFFFFFEF7, lr;
	s5 =	simm.s32 $0xFFFFFFFF;
	p2 =	slt.u32 s8, $0xFFFFF086  }
0x1c: {  	p1 =	slt.u32 s9, $0xF7A;
	s5 =	simm.s32 @!p2 $0x0  }
0x1d: {  	s5 =	simm.s32 @p1 $0x1;
	p0 =	seq.s32 s7, s2  }
0x1e: {  	s7 =	smul.u32 @!p0 $0xF7A, s2;
	p2 =	seq.s32 @!p0 s5, $0x0  }
0x1f: {  	s9 =	smul.u32 $0xF7A, s1;
	s8 =	simm.s32 @!p0 $0x1BF5;
	p2 =	por !p2, p0  }
0x20: {  	[sflag:s8] =	ssyncset.s32 @!p0 $0xFFFFF086;
	s6 =	sadd.s32 @!p0 s3, s7;
	s7 =	simm.s32 @!p0 $0x108  }
0x21: {  	s3 =	sadd.s32 s3, s9;
	s6 =	sadd.s32 @!p0 $0x88, s6;
	s7 =	simm.s32 @p2 $0x1082  }
0x22: {  	[simem:s7], [sflag:s8] =	dma.local @!p0 [hbm:s6], $0xF7A  }
0x23: {  	s9 =	sor.u32 $0xD0000000, s2;
	s6 =	simm.s32 $0x108;
	_ =	swait.ge @!p0 [sflag:s8], $0x0  }
0x24: {  	s3 =	sadd.s32 $0x88, s3;
	s6 =	simm.s32 @!p1 $0x1082;
	[sflag:s4] =	ssyncset.s32 $0xFFFFF086  }
0x25: {  	[simem:s6], [sflag:s4] =	dma.local [hbm:s3], $0xF7A  }
0x26: {  	[smem:$0x3F9F] =	sst s1;
	(tag) =	ssettag s2;
	_ =	strace s9  }
0x27: {  	s1 =	sld [smem:$0x3FAF]  }
0x28: {  	s2 =	sld [smem:$0x3FB0]  }
0x29: {  	s4 =	sld [smem:$0x3FB2]  }
0x2a: {  	p0 =	seq.s32 s5, $0x0;
	s5 =	sld [smem:$0x3FB3]  }
0x2b: {  	s6 =	sld [smem:$0x3FB4]  }
0x2c: {  	s7 =	sld [smem:$0x3FB5]  }
0x2d: {  	s3 =	simm.s32 $0x108;
	s8 =	sld [smem:$0x3FB6]  }
0x2e: {  	s3 =	simm.s32 @!p0 $0x1082;
	s9 =	sld [smem:$0x3FB7]  }
0x2f: {  	lr =	sadd.s32 s0, s3;
	s0 =	sld [smem:$0x3FAE]  }
0x30: {  	s3 =	sld [smem:$0x3FB1]  }
0x31: {  	[smem:$0x3FBA] =	sst s10  }
0x32: {  	s10 =	sld [smem:$0x3FB8];
	_ =	sdelay $0x3  }
0x33: {  	p0 =	seq.s32 s10, $0x1;
	s10 =	sld [smem:$0x3FBA];
	_ =	sdelay $0x3  }
0x34: {  	[smem:$0x3FBA] =	sst s10  }
0x35: {  	s10 =	sld [smem:$0x3FB9];
	_ =	sdelay $0x3  }
0x36: {  	p1 =	seq.s32 s10, $0x1;
	s10 =	sld [smem:$0x3FBA];
	_ =	sdelay $0x3  }
0x37: {  	[smem:$0x3FBA] =	sst s10  }
0x38: {  	s10 =	sld [smem:$0x3FBB]  }
0x39: {  	_ = 	snop;
	(pc) =	sbr.ind lr, $3  }
0x3a: {  	_ = 	snop  }
0x3b: {  	_ = 	snop  }
0x3c: {  	p2 =	seq.s32 s10, $0x1;
	s10 =	sld [smem:$0x3FBA]  }
0x3d: {  	_ =	shalt  }
0x3e: {  	_ =	shalt  }
0x3f: {  	_ =	shalt  }
0x40: {  	_ =	shalt  }
0x41: {  	_ =	shalt  }
0x42: {  	_ =	shalt  }
0x43: {  	_ =	shalt  }
0x44: {  	_ =	shalt  }
0x45: {  	_ =	shalt  }
0x46: {  	_ =	shalt  }
0x47: {  	_ =	shalt  }
0x48: {  	_ =	shalt  }
0x49: {  	_ =	shalt  }
0x4a: {  	_ =	shalt  }
0x4b: {  	_ =	shalt  }
0x4c: {  	_ =	shalt  }
0x4d: {  	_ =	shalt  }
0x4e: {  	_ =	shalt  }
0x4f: {  	_ =	shalt  }
0x50: {  	_ =	shalt  }
0x51: {  	_ =	shalt  }
0x52: {  	_ =	shalt  }
0x53: {  	_ =	shalt  }
0x54: {  	_ =	shalt  }
0x55: {  	_ =	shalt  }
0x56: {  	_ =	shalt  }
0x57: {  	_ =	shalt  }
0x58: {  	_ =	shalt  }
0x59: {  	_ =	shalt  }
0x5a: {  	_ =	shalt  }
0x5b: {  	_ =	shalt  }
0x5c: {  	_ =	shalt  }
0x5d: {  	_ =	shalt  }
0x5e: {  	_ =	shalt  }
0x5f: {  	_ =	shalt  }
0x60: {  	_ =	shalt  }
0x61: {  	_ =	shalt  }
0x62: {  	_ =	shalt  }
0x63: {  	_ =	shalt  }
0x64: {  	_ =	shalt  }
0x65: {  	_ =	shalt  }
0x66: {  	_ =	shalt  }
0x67: {  	_ =	shalt  }
0x68: {  	_ =	shalt  }
0x69: {  	_ =	shalt  }
0x6a: {  	_ =	shalt  }
0x6b: {  	_ =	shalt  }
0x6c: {  	_ =	shalt  }
0x6d: {  	_ =	shalt  }
0x6e: {  	_ =	shalt  }
0x6f: {  	_ =	shalt  }
0x70: {  	_ =	shalt  }
0x71: {  	_ =	shalt  }
0x72: {  	_ =	shalt  }
0x73: {  	_ =	shalt  }
0x74: {  	_ =	shalt  }
0x75: {  	_ =	shalt  }
0x76: {  	_ =	shalt  }
0x77: {  	_ =	shalt  }
0x78: {  	_ =	shalt  }
0x79: {  	_ =	shalt  }
0x7a: {  	_ =	shalt  }
0x7b: {  	_ =	shalt  }
0x7c: {  	_ =	shalt  }
0x7d: {  	_ =	shalt  }
0x7e: {  	_ =	shalt  }
0x7f: {  	_ =	shalt  }
0x80: {  	_ =	shalt  }
0x81: {  	_ =	shalt  }
0x82: {  	_ =	shalt  }
0x83: {  	_ =	shalt  }
0x84: {  	_ =	shalt  }
0x85: {  	_ =	shalt  }
0x86: {  	_ =	shalt  }
0x87: {  	_ =	shalt  }
.Lfunc_end0:
.L_simem_size_0:
called_computation.1_lowered:
.L_overlay_start_0:
0x88: {  	s2 =	sld [smem:$0x3FD9]  }
0x89: {  	s3 =	sld [smem:$0x3FFE];
	_ =	sdelay $0x1  }
0x8a: {  	s1 =	srdreg.scid  }
0x8b: {  	s0 =	sand.u32 $0x1, s1  }
0x8c: {  	s17 =	sshll.u32 s0, $0xA;
	s2 =	sadd.s32 s3, s2  }
0x8d: {  	s2 =	sadd.s32 s2, s17  }
0x8e: {  	[smem:$0x3FC6] =	sst s2  }
0x8f: {  	_ = 	snop  }
0x90: {  	s2 =	sld [smem:$0x3FD0];
	(tm) =	ssettm $0x1  }
0x91: {  	s18 =	sld [smem:$0x3FFB];
	_ =	sdelay $0x3  }
0x92: {  	_ =	strace s18  }
0x93: {  	s3 =	sld [smem:$0x3FFC];
	_ =	sdelay $0x3  }
0x94: {  	_ =	strace s3  }
0x95: {  	s3 =	sld [smem:$0x3FFD];
	_ =	sdelay $0x3  }
0x96: {  	_ =	strace s3  }
0x97: {  	_ =	strace $0x8FFFFFFF  }
0x98: {  	s19 =	sld [smem:$0x3FDB];
	_ =	sdelay $0x1  }
0x99: {  	s4 =	simm.s32 $_scs_section_size  }
0x9a: {  	s5 =	simm.s32 $_size__tile_overlayer_lowered;
	s6 =	simm.s32 $_tile_overlayer_lowered  }
0x9b: {  	s22 =	simm.s32 $0x1BFF;
	s21 =	sshll.u32 s6, $0x1;
	s3 =	sadd.s32 s4, s19  }
0x9c: {  	s7 =	simm.s32 $0x0;
	s20 =	sshll.u32 s5, $0x1;
	s5 =	sadd.s32 s21, s3  }
0x9d: {  	[timem:s7], [sflag:s22] =	dma.local [hbm:s5], s20  }
0x9e: {  	_ =	swait.ge [sflag:s22], s20  }
0x9f: {  	s4 =	ssub.s32 $0x0, s20;
	[sflag:s22] =	ssyncset.done $0x0  }
0xa0: {  	[sflag:s22] =	ssyncadd.s32 s4;
	_ =	sdelay $0x1  }
0xa1: {  	s23 =	simm.s32 $0x1B8B  }
0xa2: {  	_ =	swait.ge [sflag:s23], $0x1  }
0xa3: {  	[sflag:s23] =	ssyncset.done $0x0  }
0xa4: {  	s25 =	simm.s32 $0x1B8E;
	s24 =	sld [smem:$0x3FFE];
	[sflag:s23] =	ssyncadd.s32 $0xFFFFFFFF  }
0xa5: {  	s26 =	simm.s32 $execute0_lowered;
	[smem:$0x3FD2] =	sst s25  }
0xa6: {  	s5 =	sshll.u32 s26, $0x1;
	_ =	strace $0x80000046;
	[dreg:$0x1] =	wrdreg $0xFFFFFFFF  }
0xa7: {  	s28 =	simm.s32 $_size_execute0_lowered;
	s3 =	sadd.s32 s3, s5;
	[dreg:$0x0] =	wrdreg $0x0  }
0xa8: {  	s5 =	sshll.u32 s28, $0x1;
	[dreg:$0x2] =	wrdreg s3  }
0xa9: {  	[dreg:$0x3] =	wrdreg s5  }
0xaa: {  	[dreg:$0x4] =	wrdreg $0xC0  }
0xab: {  	_ =	task [dreg:s7], $0x5FFFF  }
0xac: {  	[dreg:$0x1] =	wrdreg $0xFFFFFFFF  }
0xad: {  	[dreg:$0x0] =	wrdreg $0x60  }
0xae: {  	[dreg:$0x2] =	wrdreg s24  }
0xaf: {  	[dreg:$0x3] =	wrdreg s2  }
0xb0: {  	[dreg:$0x4] =	wrdreg $0x9  }
0xb1: {  	_ =	task.clear_ibuf [dreg:s7], $0x5FFFF;
	_ =	strace $0x90000046  }
0xb2: {  	s29 =	simm.s32 $0x9;
	_ =	strace $0x80000048  }
0xb3: {  	_ =	swait.ge [sflag:s29], $0x1  }
0xb4: {  	[sflag:s29] =	ssyncadd.s32 $0xFFFFFFFF  }
0xb5: {  	_ =	strace $0x90000048  }
0xb6: {  	_ =	sfence  }
0xb7: {  	s30 =	sld [smem:$0x0];
	_ =	sdelay $0x2  }
0xb8: {  	s31 =	sshll.u32 s1, $0xD;
	s1 =	sshrl.u32 s1, $0x2  }
0xb9: {  	s3 =	sand.u32 $0x4000, s31;
	s1 =	sadd.s32 s1, s30  }
0xba: {  	s0 =	sor.u32 s3, s0;
	s1 =	sshll.u32 s1, $0x11  }
0xbb: {  	s0 =	sor.u32 s1, s0  }
0xbc: {  	s0 =	sadd.s32 $0x8F2B, s0  }
0xbd: {  	[sflag:s0] =	ssyncadd.remote.s32 $0x1  }
0xbe: {  	_ =	sfence.sel $0xFFFF  }
0xbf: {  	[dreg:$0x0] =	wrdreg $0xFFFFFFFF;
	(pc) =	sbr.abs _section_cstart, $3  }
0xc0: {  	[dreg:$0x1] =	wrdreg $0xFFFFFFFF  }
0xc1: {  	_ =	task.clear_ibuf [dreg:s7], $0x2FFFF;
	_ =	strace $0x9FFFFFFF  }
0xc2: {  	(tm) =	ssettm $0x7FFFFFFF  }
0xc3: {  	_ =	shalt  }
tec
execute0_lowered:
.L_overlay_start_1:
0x0: {  	(tag) =	ssettag $0x1  }
0x1: {  	s0 =	rddreg [dreg:$0x0];
	s1 =	srdreg.scid  }
0x2: {  	s7 =	stileid.u32;
	s4 =	rddreg [dreg:$0x1];
	s2 =	simm.s32 $0x0  }
0x3: {  	s28 =	simm.s32 $0x9400;
	s30 =	simm.s32 $0xA400;
	s31 =	simm.s32 $0x1  }
0x4: {  	s1 =	sand.u32 $0x1, s1;
	s3 =	sshll.u32 s7, $0x1;
	s7 =	smul.u32 $0xD0000, s7  }
0x5: {  	s5 =	sor.u32 s1, s3;
	s25 =	ssub.s32 $0x2, s1;
	s1 =	smul.u32 $0x68000, s1  }
0x6: {  	s29 =	simm.s32 $0x0;
	[smem:$0x7FF] =	sst s2;
	s6 =	smul.u32 $0x680, s5  }
0x7: {  	_ =	strace $0x80000047;
	s3 =	sadd.s32 $0xD800, s0;
	s5 =	smul.u32 $0x68000, s5  }
0x8: {  	s8 =	sshrl.u32 s25, $0x1;
	s1 =	sadd.s32 s1, s7;
	s0 =	sadd.s32 s6, s0  }
0x9: {  	s5 =	sshrl.u32 s5, $0x3;
	s6 =	ssub.s32 s25, s8;
	s13 =	sor.u32 $0x7000, s1  }
0xa: {  	s15 =	sor.u32 $0x5000, s1;
	s19 =	sor.u32 $0x3000, s1;
	s21 =	sor.u32 $0x2000, s1  }
0xb: {  	s22 =	sor.u32 $0x1000, s1;
	s0 =	sadd.s32 $0x800, s0;
	s26 =	sadd.s32 s4, s5  }
0xc: {  	s20 =	sshrl.u32 s19, $0x3;
	s24 =	sshrl.u32 s22, $0x3;
	s19 =	simm.s32 $0x5400  }
0xd: {  	s22 =	simm.s32 $0x6;
	[dreg:$0xb] =	wrdreg s0;
	s5 =	sadd.s32 $0xC000, s26  }
0xe: {  	s11 =	sadd.s32 $0xC200, s26;
	s12 =	sadd.s32 $0xC400, s26;
	s8 =	sadd.s32 $0xC600, s26  }
0xf: {  	s9 =	sadd.s32 $0xC800, s26;
	s10 =	sadd.s32 $0xCA00, s26;
	[dreg:$0xc] =	wrdreg s5  }
0x10: {  	s25 =	sadd.s32 s24, s4;
	s0 =	simm.s32 $0x3;
	[dreg:$0xd] =	wrdreg s11  }
0x11: {  	s24 =	simm.s32 $0x7;
	[dreg:$0xe] =	wrdreg s12;
	s5 =	sshrl.u32 s13, $0x3  }
0x12: {  	s11 =	sadd.s32 $0xCC00, s26;
	s12 =	sor.u32 $0x6000, s1;
	s13 =	sor.u32 $0x4000, s1  }
0x13: {  	s1 =	sshrl.u32 s1, $0x3;
	[dreg:$0x9] =	wrdreg s25;
	s25 =	simm.s32 $0x8400  }
0x14: {  	s5 =	sadd.s32 s5, s4;
	s14 =	sshrl.u32 s12, $0x3;
	s12 =	sshrl.u32 s15, $0x3  }
0x15: {  	s17 =	sshrl.u32 s13, $0x3;
	s13 =	smax.u32 s6, $0x1;
	s15 =	simm.s32 $0x80  }
0x16: {  	[dreg:$0x3] =	wrdreg s5;
	s5 =	sadd.s32 s14, s4;
	s16 =	sadd.s32 s12, s4  }
0x17: {  	s18 =	sadd.s32 s17, s4;
	s12 =	sshrl.u32 s21, $0x3;
	[dreg:$0x4] =	wrdreg s5  }
0x18: {  	s14 =	simm.s32 $0x9;
	s17 =	simm.s32 $0x4400;
	[dreg:$0x5] =	wrdreg s16  }
0x19: {  	s21 =	simm.s32 $0x6400;
	[dreg:$0x6] =	wrdreg s18;
	s5 =	sadd.s32 s20, s4  }
0x1a: {  	s23 =	sadd.s32 s12, s4;
	s12 =	sadd.s32 $0xCE00, s26;
	s26 =	sadd.s32 s1, s4  }
0x1b: {  	s16 =	simm.s32 $0x3400;
	s1 =	simm.s32 $0x2;
	[dreg:$0x7] =	wrdreg s5  }
0x1c: {  	s18 =	simm.s32 $0x4;
	s20 =	simm.s32 $0x5;
	[dreg:$0x8] =	wrdreg s23  }
0x1d: {  	[dreg:$0xa] =	wrdreg s26;
	s23 =	simm.s32 $0x7400;
	s26 =	simm.s32 $0x8  }
.LBB2_1:
0x1e: {  	s4 =	rddreg [dreg:$0xb]  }
0x1f: {  	[tilespmem:s2], [sflag:$0x9] =	stream.linear.gather [hbm4b:s4+s2], $0x3400, $0x38;
	[tilespmem:$0xB400] =	vst v63  }
0x20: {  	_ =	swait.ge [sflag:s14], $0x3400  }
0x21: {  	[sflag:s14] =	ssyncset.done $0x0  }
0x22: {  	[sflag:s14] =	ssyncadd.s32 $0xFFFFCC00  }
0x23: {  	[tilespmem:s16], [sflag:$0x1] =	stream.indirect.gather [hbm4b:s3+s15], $0x20, s2, s15, $0xb8;
	[tilespmem:$0xB400] =	vst v63  }
0x24: {  	_ = 	snop  }
0x25: {  	[tilespmem:s17], [sflag:$0x2] =	stream.indirect.gather [hbm4b:s3+s15], $0x20, s15, s15, $0xb8;
	[tilespmem:$0xB400] =	vst v63  }
0x26: {  	s5 =	simm.s32 $0x100  }
0x27: {  	[tilespmem:s19], [sflag:$0x3] =	stream.indirect.gather [hbm4b:s3+s15], $0x20, s5, s15, $0xb8;
	[tilespmem:$0xB400] =	vst v63  }
0x28: {  	s6 =	simm.s32 $0x180  }
0x29: {  	[tilespmem:s21], [sflag:$0x4] =	stream.indirect.gather [hbm4b:s3+s15], $0x20, s6, s15, $0xb8;
	[tilespmem:$0xB400] =	vst v63  }
0x2a: {  	s7 =	simm.s32 $0x200  }
0x2b: {  	[tilespmem:s23], [sflag:$0x5] =	stream.indirect.gather [hbm4b:s3+s15], $0x20, s7, s15, $0xb8;
	[tilespmem:$0xB400] =	vst v63  }
0x2c: {  	s5 =	simm.s32 $0x280  }
0x2d: {  	[tilespmem:s25], [sflag:$0x6] =	stream.indirect.gather [hbm4b:s3+s15], $0x20, s5, s15, $0xb8;
	[tilespmem:$0xB400] =	vst v63  }
0x2e: {  	s6 =	simm.s32 $0x300  }
0x2f: {  	[tilespmem:s28], [sflag:$0x7] =	stream.indirect.gather [hbm4b:s3+s15], $0x20, s6, s15, $0xb8;
	[tilespmem:$0xB400] =	vst v63  }
0x30: {  	s7 =	simm.s32 $0x380  }
0x31: {  	[tilespmem:s30], [sflag:$0x8] =	stream.indirect.gather [hbm4b:s3+s15], $0x20, s7, s15, $0xb8;
	[tilespmem:$0xB400] =	vst v63  }
0x32: {  	_ =	swait.ge [sflag:s31], $0x1000  }
0x33: {  	s5 =	rddreg [dreg:$0xa];
	[sflag:s31] =	ssyncset.done $0x0  }
0x34: {  	[sflag:s31] =	ssyncadd.s32 $0xFFFFF000;
	s4 =	sadd.s32 $0x0, s5  }
0x35: {  	[hbm4b:s4+s2] =	stream.linear.scatter [tilespmem:s16], [sflag:$0x9], $0x1000, $0x38;
	[tilespmem:$0xB400] =	vst v63  }
0x36: {  	_ =	swait.ge [sflag:s14], $0x1000  }
0x37: {  	[sflag:s14] =	ssyncset.done $0x0  }
0x38: {  	s6 =	simm.s32 $0x400;
	[sflag:s14] =	ssyncadd.s32 $0xFFFFF000  }
0x39: {  	[tilespmem:s16], [sflag:$0x1] =	stream.indirect.gather [hbm4b:s3+s15], $0x20, s6, s15, $0xb8;
	[tilespmem:$0xB400] =	vst v63  }
0x3a: {  	_ =	swait.ge [sflag:s1], $0x1000  }
0x3b: {  	s7 =	rddreg [dreg:$0x9];
	[sflag:s1] =	ssyncset.done $0x0  }
0x3c: {  	[sflag:s1] =	ssyncadd.s32 $0xFFFFF000;
	s4 =	sadd.s32 $0x0, s7  }
0x3d: {  	[hbm4b:s4+s2] =	stream.linear.scatter [tilespmem:s17], [sflag:$0x9], $0x1000, $0x38;
	[tilespmem:$0xB400] =	vst v63  }
0x3e: {  	_ =	swait.ge [sflag:s14], $0x1000  }
0x3f: {  	[sflag:s14] =	ssyncset.done $0x0  }
0x40: {  	s5 =	simm.s32 $0x480;
	[sflag:s14] =	ssyncadd.s32 $0xFFFFF000  }
0x41: {  	[tilespmem:s17], [sflag:$0x2] =	stream.indirect.gather [hbm4b:s3+s15], $0x20, s5, s15, $0xb8;
	[tilespmem:$0xB400] =	vst v63  }
0x42: {  	_ =	swait.ge [sflag:s0], $0x1000  }
0x43: {  	s6 =	rddreg [dreg:$0x8];
	[sflag:s0] =	ssyncset.done $0x0  }
0x44: {  	[sflag:s0] =	ssyncadd.s32 $0xFFFFF000;
	s4 =	sadd.s32 $0x0, s6  }
0x45: {  	[hbm4b:s4+s2] =	stream.linear.scatter [tilespmem:s19], [sflag:$0x9], $0x1000, $0x38;
	[tilespmem:$0xB400] =	vst v63  }
0x46: {  	_ =	swait.ge [sflag:s14], $0x1000  }
0x47: {  	[sflag:s14] =	ssyncset.done $0x0  }
0x48: {  	s7 =	simm.s32 $0x500;
	[sflag:s14] =	ssyncadd.s32 $0xFFFFF000  }
0x49: {  	[tilespmem:s19], [sflag:$0x3] =	stream.indirect.gather [hbm4b:s3+s15], $0x20, s7, s15, $0xb8;
	[tilespmem:$0xB400] =	vst v63  }
0x4a: {  	_ =	swait.ge [sflag:s18], $0x1000  }
0x4b: {  	s5 =	rddreg [dreg:$0x7];
	[sflag:s18] =	ssyncset.done $0x0  }
0x4c: {  	[sflag:s18] =	ssyncadd.s32 $0xFFFFF000;
	s4 =	sadd.s32 $0x0, s5  }
0x4d: {  	[hbm4b:s4+s2] =	stream.linear.scatter [tilespmem:s21], [sflag:$0x9], $0x1000, $0x38;
	[tilespmem:$0xB400] =	vst v63  }
0x4e: {  	_ =	swait.ge [sflag:s14], $0x1000  }
0x4f: {  	[sflag:s14] =	ssyncset.done $0x0  }
0x50: {  	s6 =	simm.s32 $0x580;
	[sflag:s14] =	ssyncadd.s32 $0xFFFFF000  }
0x51: {  	[tilespmem:s21], [sflag:$0x4] =	stream.indirect.gather [hbm4b:s3+s15], $0x20, s6, s15, $0xb8;
	[tilespmem:$0xB400] =	vst v63  }
0x52: {  	_ =	swait.ge [sflag:s20], $0x1000  }
0x53: {  	s7 =	rddreg [dreg:$0x6];
	[sflag:s20] =	ssyncset.done $0x0  }
0x54: {  	[sflag:s20] =	ssyncadd.s32 $0xFFFFF000;
	s4 =	sadd.s32 $0x0, s7  }
0x55: {  	[hbm4b:s4+s2] =	stream.linear.scatter [tilespmem:s23], [sflag:$0x9], $0x1000, $0x38;
	[tilespmem:$0xB400] =	vst v63  }
0x56: {  	_ =	swait.ge [sflag:s14], $0x1000  }
0x57: {  	[sflag:s14] =	ssyncset.done $0x0  }
0x58: {  	s5 =	simm.s32 $0x600;
	[sflag:s14] =	ssyncadd.s32 $0xFFFFF000  }
0x59: {  	[tilespmem:s23], [sflag:$0x5] =	stream.indirect.gather [hbm4b:s3+s15], $0x20, s5, s15, $0xb8;
	[tilespmem:$0xB400] =	vst v63  }
0x5a: {  	_ =	swait.ge [sflag:s22], $0x1000  }
0x5b: {  	s6 =	rddreg [dreg:$0x5];
	[sflag:s22] =	ssyncset.done $0x0  }
0x5c: {  	[sflag:s22] =	ssyncadd.s32 $0xFFFFF000;
	s4 =	sadd.s32 $0x0, s6  }
0x5d: {  	[hbm4b:s4+s2] =	stream.linear.scatter [tilespmem:s25], [sflag:$0x9], $0x1000, $0x38;
	[tilespmem:$0xB400] =	vst v63  }
0x5e: {  	_ =	swait.ge [sflag:s14], $0x1000  }
0x5f: {  	[sflag:s14] =	ssyncset.done $0x0  }
0x60: {  	s7 =	simm.s32 $0x680;
	[sflag:s14] =	ssyncadd.s32 $0xFFFFF000  }
0x61: {  	[tilespmem:s25], [sflag:$0x6] =	stream.indirect.gather [hbm4b:s3+s15], $0x20, s7, s15, $0xb8;
	[tilespmem:$0xB400] =	vst v63  }
0x62: {  	_ =	swait.ge [sflag:s24], $0x1000  }
0x63: {  	s5 =	rddreg [dreg:$0x4];
	[sflag:s24] =	ssyncset.done $0x0  }
0x64: {  	[sflag:s24] =	ssyncadd.s32 $0xFFFFF000;
	s4 =	sadd.s32 $0x0, s5  }
0x65: {  	[hbm4b:s4+s2] =	stream.linear.scatter [tilespmem:s28], [sflag:$0x9], $0x1000, $0x38;
	[tilespmem:$0xB400] =	vst v63  }
0x66: {  	_ =	swait.ge [sflag:s14], $0x1000  }
0x67: {  	[sflag:s14] =	ssyncset.done $0x0  }
0x68: {  	s6 =	simm.s32 $0x700;
	[sflag:s14] =	ssyncadd.s32 $0xFFFFF000  }
0x69: {  	[tilespmem:s28], [sflag:$0x7] =	stream.indirect.gather [hbm4b:s3+s15], $0x20, s6, s15, $0xb8;
	[tilespmem:$0xB400] =	vst v63  }
0x6a: {  	_ =	swait.ge [sflag:s26], $0x1000  }
0x6b: {  	s7 =	rddreg [dreg:$0x3];
	[sflag:s26] =	ssyncset.done $0x0  }
0x6c: {  	[sflag:s26] =	ssyncadd.s32 $0xFFFFF000;
	s4 =	sadd.s32 $0x0, s7  }
0x6d: {  	[hbm4b:s4+s2] =	stream.linear.scatter [tilespmem:s30], [sflag:$0x9], $0x1000, $0x38;
	[tilespmem:$0xB400] =	vst v63  }
0x6e: {  	_ =	swait.ge [sflag:s14], $0x1000  }
0x6f: {  	[sflag:s14] =	ssyncset.done $0x0  }
0x70: {  	s5 =	simm.s32 $0x780;
	s4 =	simm.s32 $0x1000;
	[sflag:s14] =	ssyncadd.s32 $0xFFFFF000  }
.LBB2_2:
0x71: {  	[tilespmem:s30], [sflag:$0x8] =	stream.indirect.gather [hbm4b:s3+s15], $0x20, s5, s15, $0xb8;
	[tilespmem:$0xB400] =	vst v63  }
0x72: {  	_ =	swait.ge [sflag:s31], $0x1000  }
0x73: {  	s5 =	smov.u32 s4;
	s6 =	rddreg [dreg:$0xa];
	[sflag:s31] =	ssyncset.done $0x0  }
0x74: {  	[sflag:s31] =	ssyncadd.s32 $0xFFFFF000;
	s6 =	sadd.s32 s5, s6  }
0x75: {  	[hbm4b:s6+s2] =	stream.linear.scatter [tilespmem:s16], [sflag:$0x9], $0x1000, $0x38;
	[tilespmem:$0xB400] =	vst v63  }
0x76: {  	_ =	swait.ge [sflag:s14], $0x1000  }
0x77: {  	s6 =	sshra.s32 s5, $0x2;
	[sflag:s14] =	ssyncset.done $0x0  }
0x78: {  	s7 =	sadd.s32 $0x400, s6;
	[sflag:s14] =	ssyncadd.s32 $0xFFFFF000  }
0x79: {  	[tilespmem:s16], [sflag:$0x1] =	stream.indirect.gather [hbm4b:s3+s15], $0x20, s7, s15, $0xb8;
	[tilespmem:$0xB400] =	vst v63  }
0x7a: {  	_ =	swait.ge [sflag:s1], $0x1000  }
0x7b: {  	s7 =	rddreg [dreg:$0x9];
	[sflag:s1] =	ssyncset.done $0x0  }
0x7c: {  	[sflag:s1] =	ssyncadd.s32 $0xFFFFF000;
	s7 =	sadd.s32 s5, s7  }
0x7d: {  	[hbm4b:s7+s2] =	stream.linear.scatter [tilespmem:s17], [sflag:$0x9], $0x1000, $0x38;
	[tilespmem:$0xB400] =	vst v63  }
0x7e: {  	_ =	swait.ge [sflag:s14], $0x1000  }
0x7f: {  	[sflag:s14] =	ssyncset.done $0x0  }
0x80: {  	s7 =	sadd.s32 $0x480, s6;
	[sflag:s14] =	ssyncadd.s32 $0xFFFFF000  }
0x81: {  	[tilespmem:s17], [sflag:$0x2] =	stream.indirect.gather [hbm4b:s3+s15], $0x20, s7, s15, $0xb8;
	[tilespmem:$0xB400] =	vst v63  }
0x82: {  	_ =	swait.ge [sflag:s0], $0x1000  }
0x83: {  	s7 =	rddreg [dreg:$0x8];
	[sflag:s0] =	ssyncset.done $0x0  }
0x84: {  	[sflag:s0] =	ssyncadd.s32 $0xFFFFF000;
	s7 =	sadd.s32 s5, s7  }
0x85: {  	[hbm4b:s7+s2] =	stream.linear.scatter [tilespmem:s19], [sflag:$0x9], $0x1000, $0x38;
	[tilespmem:$0xB400] =	vst v63  }
0x86: {  	_ =	swait.ge [sflag:s14], $0x1000  }
0x87: {  	[sflag:s14] =	ssyncset.done $0x0  }
0x88: {  	s7 =	sadd.s32 $0x500, s6;
	[sflag:s14] =	ssyncadd.s32 $0xFFFFF000  }
0x89: {  	[tilespmem:s19], [sflag:$0x3] =	stream.indirect.gather [hbm4b:s3+s15], $0x20, s7, s15, $0xb8;
	[tilespmem:$0xB400] =	vst v63  }
0x8a: {  	_ =	swait.ge [sflag:s18], $0x1000  }
0x8b: {  	s7 =	rddreg [dreg:$0x7];
	[sflag:s18] =	ssyncset.done $0x0  }
0x8c: {  	[sflag:s18] =	ssyncadd.s32 $0xFFFFF000;
	s7 =	sadd.s32 s5, s7  }
0x8d: {  	[hbm4b:s7+s2] =	stream.linear.scatter [tilespmem:s21], [sflag:$0x9], $0x1000, $0x38;
	[tilespmem:$0xB400] =	vst v63  }
0x8e: {  	_ =	swait.ge [sflag:s14], $0x1000  }
0x8f: {  	[sflag:s14] =	ssyncset.done $0x0  }
0x90: {  	s7 =	sadd.s32 $0x580, s6;
	[sflag:s14] =	ssyncadd.s32 $0xFFFFF000  }
0x91: {  	[tilespmem:s21], [sflag:$0x4] =	stream.indirect.gather [hbm4b:s3+s15], $0x20, s7, s15, $0xb8;
	[tilespmem:$0xB400] =	vst v63  }
0x92: {  	_ =	swait.ge [sflag:s20], $0x1000  }
0x93: {  	s7 =	rddreg [dreg:$0x6];
	[sflag:s20] =	ssyncset.done $0x0  }
0x94: {  	[sflag:s20] =	ssyncadd.s32 $0xFFFFF000;
	s7 =	sadd.s32 s5, s7  }
0x95: {  	[hbm4b:s7+s2] =	stream.linear.scatter [tilespmem:s23], [sflag:$0x9], $0x1000, $0x38;
	[tilespmem:$0xB400] =	vst v63  }
0x96: {  	_ =	swait.ge [sflag:s14], $0x1000  }
0x97: {  	[sflag:s14] =	ssyncset.done $0x0  }
0x98: {  	s7 =	sadd.s32 $0x600, s6;
	[sflag:s14] =	ssyncadd.s32 $0xFFFFF000  }
0x99: {  	[tilespmem:s23], [sflag:$0x5] =	stream.indirect.gather [hbm4b:s3+s15], $0x20, s7, s15, $0xb8;
	[tilespmem:$0xB400] =	vst v63  }
0x9a: {  	_ =	swait.ge [sflag:s22], $0x1000  }
0x9b: {  	s7 =	rddreg [dreg:$0x5];
	[sflag:s22] =	ssyncset.done $0x0  }
0x9c: {  	[sflag:s22] =	ssyncadd.s32 $0xFFFFF000;
	s7 =	sadd.s32 s5, s7  }
0x9d: {  	[hbm4b:s7+s2] =	stream.linear.scatter [tilespmem:s25], [sflag:$0x9], $0x1000, $0x38;
	[tilespmem:$0xB400] =	vst v63  }
0x9e: {  	_ =	swait.ge [sflag:s14], $0x1000  }
0x9f: {  	[sflag:s14] =	ssyncset.done $0x0  }
0xa0: {  	s7 =	sadd.s32 $0x680, s6;
	[sflag:s14] =	ssyncadd.s32 $0xFFFFF000  }
0xa1: {  	[tilespmem:s25], [sflag:$0x6] =	stream.indirect.gather [hbm4b:s3+s15], $0x20, s7, s15, $0xb8;
	[tilespmem:$0xB400] =	vst v63  }
0xa2: {  	_ =	swait.ge [sflag:s24], $0x1000  }
0xa3: {  	s7 =	rddreg [dreg:$0x4];
	[sflag:s24] =	ssyncset.done $0x0  }
0xa4: {  	[sflag:s24] =	ssyncadd.s32 $0xFFFFF000;
	s7 =	sadd.s32 s5, s7  }
0xa5: {  	[hbm4b:s7+s2] =	stream.linear.scatter [tilespmem:s28], [sflag:$0x9], $0x1000, $0x38;
	[tilespmem:$0xB400] =	vst v63  }
0xa6: {  	_ =	swait.ge [sflag:s14], $0x1000  }
0xa7: {  	[sflag:s14] =	ssyncset.done $0x0  }
0xa8: {  	s7 =	sadd.s32 $0x700, s6;
	[sflag:s14] =	ssyncadd.s32 $0xFFFFF000  }
0xa9: {  	[tilespmem:s28], [sflag:$0x7] =	stream.indirect.gather [hbm4b:s3+s15], $0x20, s7, s15, $0xb8;
	[tilespmem:$0xB400] =	vst v63  }
0xaa: {  	_ =	swait.ge [sflag:s26], $0x1000  }
0xab: {  	p0 =	sne.s32 s4, $0xB000;
	s7 =	rddreg [dreg:$0x3];
	[sflag:s26] =	ssyncset.done $0x0  }
.Ltmp0:
0xac: {  	[sflag:s26] =	ssyncadd.s32 $0xFFFFF000;
	s5 =	sadd.s32 s5, s7;
	(pc) =	sbr.rel @p0 .LBB2_2-.Ltmp0, $4  }
0xad: {  	[hbm4b:s5+s2] =	stream.linear.scatter [tilespmem:s30], [sflag:$0x9], $0x1000, $0x38;
	[tilespmem:$0xB400] =	vst v63  }
0xae: {  	_ =	swait.ge [sflag:s14], $0x1000  }
0xaf: {  	[sflag:s14] =	ssyncset.done $0x0  }
0xb0: {  	s4 =	sadd.s32 $0x1000, s4;
	s5 =	sadd.s32 $0x780, s6;
	[sflag:s14] =	ssyncadd.s32 $0xFFFFF000  }
0xb1: {  	[tilespmem:s30], [sflag:$0x8] =	stream.indirect.gather [hbm4b:s3+s15], $0x20, s5, s15, $0xb8;
	[tilespmem:$0xB400] =	vst v63  }
0xb2: {  	_ =	swait.ge [sflag:s31], $0x1000  }
0xb3: {  	[sflag:s31] =	ssyncset.done $0x0  }
0xb4: {  	s4 =	rddreg [dreg:$0xc];
	[sflag:s31] =	ssyncadd.s32 $0xFFFFF000  }
0xb5: {  	[hbm4b:s4+s2] =	stream.linear.scatter [tilespmem:s16], [sflag:$0x9], $0x1000, $0x38;
	[tilespmem:$0xB400] =	vst v63  }
0xb6: {  	_ =	swait.ge [sflag:s14], $0x1000  }
0xb7: {  	[sflag:s14] =	ssyncset.done $0x0  }
0xb8: {  	[sflag:s14] =	ssyncadd.s32 $0xFFFFF000  }
0xb9: {  	_ =	swait.ge [sflag:s1], $0x1000  }
0xba: {  	[sflag:s1] =	ssyncset.done $0x0  }
0xbb: {  	s6 =	rddreg [dreg:$0xd];
	[sflag:s1] =	ssyncadd.s32 $0xFFFFF000  }
0xbc: {  	[hbm4b:s6+s2] =	stream.linear.scatter [tilespmem:s17], [sflag:$0x9], $0x1000, $0x38;
	[tilespmem:$0xB400] =	vst v63  }
0xbd: {  	_ =	swait.ge [sflag:s14], $0x1000  }
0xbe: {  	[sflag:s14] =	ssyncset.done $0x0  }
0xbf: {  	[sflag:s14] =	ssyncadd.s32 $0xFFFFF000  }
0xc0: {  	_ =	swait.ge [sflag:s0], $0x1000  }
0xc1: {  	[sflag:s0] =	ssyncset.done $0x0  }
0xc2: {  	s7 =	rddreg [dreg:$0xe];
	[sflag:s0] =	ssyncadd.s32 $0xFFFFF000  }
0xc3: {  	[hbm4b:s7+s2] =	stream.linear.scatter [tilespmem:s19], [sflag:$0x9], $0x1000, $0x38;
	[tilespmem:$0xB400] =	vst v63  }
0xc4: {  	_ =	swait.ge [sflag:s14], $0x1000  }
0xc5: {  	[sflag:s14] =	ssyncset.done $0x0  }
0xc6: {  	[sflag:s14] =	ssyncadd.s32 $0xFFFFF000  }
0xc7: {  	_ =	swait.ge [sflag:s18], $0x1000  }
0xc8: {  	[sflag:s18] =	ssyncset.done $0x0  }
0xc9: {  	[sflag:s18] =	ssyncadd.s32 $0xFFFFF000  }
0xca: {  	[hbm4b:s8+s2] =	stream.linear.scatter [tilespmem:s21], [sflag:$0x9], $0x1000, $0x38;
	[tilespmem:$0xB400] =	vst v63  }
0xcb: {  	_ =	swait.ge [sflag:s14], $0x1000  }
0xcc: {  	[sflag:s14] =	ssyncset.done $0x0  }
0xcd: {  	[sflag:s14] =	ssyncadd.s32 $0xFFFFF000  }
0xce: {  	_ =	swait.ge [sflag:s20], $0x1000  }
0xcf: {  	[sflag:s20] =	ssyncset.done $0x0  }
0xd0: {  	[sflag:s20] =	ssyncadd.s32 $0xFFFFF000  }
0xd1: {  	[hbm4b:s9+s2] =	stream.linear.scatter [tilespmem:s23], [sflag:$0x9], $0x1000, $0x38;
	[tilespmem:$0xB400] =	vst v63  }
0xd2: {  	_ =	swait.ge [sflag:s14], $0x1000  }
0xd3: {  	[sflag:s14] =	ssyncset.done $0x0  }
0xd4: {  	[sflag:s14] =	ssyncadd.s32 $0xFFFFF000  }
0xd5: {  	_ =	swait.ge [sflag:s22], $0x1000  }
0xd6: {  	[sflag:s22] =	ssyncset.done $0x0  }
0xd7: {  	[sflag:s22] =	ssyncadd.s32 $0xFFFFF000  }
0xd8: {  	[hbm4b:s10+s2] =	stream.linear.scatter [tilespmem:s25], [sflag:$0x9], $0x1000, $0x38;
	[tilespmem:$0xB400] =	vst v63  }
0xd9: {  	_ =	swait.ge [sflag:s14], $0x1000  }
0xda: {  	[sflag:s14] =	ssyncset.done $0x0  }
0xdb: {  	[sflag:s14] =	ssyncadd.s32 $0xFFFFF000  }
0xdc: {  	_ =	swait.ge [sflag:s24], $0x1000  }
0xdd: {  	[sflag:s24] =	ssyncset.done $0x0  }
0xde: {  	[sflag:s24] =	ssyncadd.s32 $0xFFFFF000  }
0xdf: {  	[hbm4b:s11+s2] =	stream.linear.scatter [tilespmem:s28], [sflag:$0x9], $0x1000, $0x38;
	[tilespmem:$0xB400] =	vst v63  }
0xe0: {  	_ =	swait.ge [sflag:s14], $0x1000  }
0xe1: {  	[sflag:s14] =	ssyncset.done $0x0  }
0xe2: {  	[sflag:s14] =	ssyncadd.s32 $0xFFFFF000  }
0xe3: {  	s29 =	sadd.s32 $0x1, s29;
	_ =	swait.ge [sflag:s26], $0x1000  }
0xe4: {  	p0 =	sne.s32 s29, s13;
	[sflag:s26] =	ssyncset.done $0x0  }
.Ltmp1:
0xe5: {  	[sflag:s26] =	ssyncadd.s32 $0xFFFFF000;
	(pc) =	sbr.rel @p0 .LBB2_1-.Ltmp1, $4  }
0xe6: {  	[hbm4b:s12+s2] =	stream.linear.scatter [tilespmem:s30], [sflag:$0x9], $0x1000, $0x38;
	[tilespmem:$0xB400] =	vst v63  }
0xe7: {  	_ =	swait.ge [sflag:s14], $0x1000  }
0xe8: {  	[sflag:s14] =	ssyncset.done $0x0  }
0xe9: {  	[sflag:s14] =	ssyncadd.s32 $0xFFFFF000  }
0xea: {  	_ =	sfence.sel $0x180000  }
0xeb: {  	[bflag:$0x0] =	sbarrier.arrive $0xFFFF  }
0xec: {  	_ =	strace $0x90000047  }
0xed: {  	s0 =	stileid.u32;
	[bflag:$0x2] =	sbarrier.arrive $0xFFFF  }
0xee: {  	p0 =	sne.s32 s0, $0x0;
	s0 =	rddreg [dreg:$0x2]  }
0xef: {  	s0 =	sadd.s32 @!p0 $0x100000, s0  }
0xf0: {  	[sflag:s0] =	ssyncadd.tile.s32 @!p0 $0x1;
	_ =	shalt  }
.Lfunc_end2:
_tile_overlayer_lowered:
.L_overlay_start_2:
0xf1: {  	(tag) =	ssettag $0x2  }
0xf2: {  	s0 =	rddreg [dreg:$0x0];
	s2 =	stileid.u32  }
0xf3: {  	s1 =	rddreg [dreg:$0x1];
	p0 =	sne.s32 s2, $0x0  }
0xf4: {  	s3 =	rddreg [dreg:$0x2];
	[bflag:$0x3] =	sbarrier.arrive $0xFFFF;
	s2 =	simm.s32 @!p0 $0x1C09  }
0xf5: {  	[timem:s3], [sflag:s2] =	dma.local @!p0 [hbm:s0], s1  }
0xf6: {  	s0 =	simm.s32 @!p0 $0x9  }
0xf7: {  	_ =	swait.ge @!p0 [sflag:s0], s1  }
0xf8: {  	s1 =	ssub.s32 @!p0 $0x0, s1;
	[sflag:s0] =	ssyncset.done @!p0 $0x0  }
0xf9: {  	[sflag:s0] =	ssyncadd.s32 @!p0 s1  }
0xfa: {  	[bflag:$0x3] =	sbarrier.arrive $0xFFFF  }
0xfb: {  	_ =	shalt  }

// kernel: sparse-core-data-format-call.cloned.1.call-start
scs
called_computation_lowered:
.L_overlay_start_0:
0x0: {  	s2 =	sld [smem:$0x3FD9]  }
0x1: {  	s3 =	sld [smem:$0x3FFE];
	_ =	sdelay $0x1  }
0x2: {  	s1 =	srdreg.scid  }
0x3: {  	s0 =	sand.u32 $0x1, s1  }
0x4: {  	s18 =	sshll.u32 s0, $0xA;
	s2 =	sadd.s32 s3, s2  }
0x5: {  	s2 =	sadd.s32 s2, s18  }
0x6: {  	[smem:$0x3FC6] =	sst s2  }
0x7: {  	_ = 	snop  }
0x8: {  	s2 =	sld [smem:$0x3FD0];
	(tm) =	ssettm $0x1  }
0x9: {  	s19 =	sld [smem:$0x3FFB];
	_ =	sdelay $0x3  }
0xa: {  	_ =	strace s19  }
0xb: {  	s3 =	sld [smem:$0x3FFC];
	_ =	sdelay $0x3  }
0xc: {  	_ =	strace s3  }
0xd: {  	s3 =	sld [smem:$0x3FFD];
	_ =	sdelay $0x3  }
0xe: {  	_ =	strace s3  }
0xf: {  	_ =	strace $0x8FFFFFFF  }
0x10: {  	s20 =	sld [smem:$0x3FDB];
	_ =	sdelay $0x1  }
0x11: {  	s4 =	simm.s32 $_scs_section_size  }
0x12: {  	s5 =	simm.s32 $_size__tile_overlayer_lowered;
	s6 =	simm.s32 $_tile_overlayer_lowered  }
0x13: {  	s23 =	simm.s32 $0x1BFF;
	s22 =	sshll.u32 s6, $0x1;
	s3 =	sadd.s32 s4, s20  }
0x14: {  	s7 =	simm.s32 $0x0;
	s21 =	sshll.u32 s5, $0x1;
	s5 =	sadd.s32 s22, s3  }
0x15: {  	[timem:s7], [sflag:s23] =	dma.local [hbm:s5], s21  }
0x16: {  	_ =	swait.ge [sflag:s23], s21  }
0x17: {  	s4 =	ssub.s32 $0x0, s21;
	[sflag:s23] =	ssyncset.done $0x0  }
0x18: {  	[sflag:s23] =	ssyncadd.s32 s4;
	_ =	sdelay $0x1  }
0x19: {  	s24 =	simm.s32 $0x1B8B  }
0x1a: {  	_ =	swait.ge [sflag:s24], $0x1  }
0x1b: {  	[sflag:s24] =	ssyncset.done $0x0  }
0x1c: {  	s26 =	simm.s32 $0x1B8E;
	s25 =	sld [smem:$0x3FFE];
	[sflag:s24] =	ssyncadd.s32 $0xFFFFFFFF  }
0x1d: {  	s27 =	simm.s32 $execute0_lowered;
	[smem:$0x3FD2] =	sst s26  }
0x1e: {  	s5 =	sshll.u32 s27, $0x1;
	_ =	strace $0x80000049;
	[dreg:$0x1] =	wrdreg $0xFFFFFFFF  }
0x1f: {  	s28 =	simm.s32 $_size_execute0_lowered;
	s3 =	sadd.s32 s3, s5;
	[dreg:$0x0] =	wrdreg $0x0  }
0x20: {  	s5 =	sshll.u32 s28, $0x1;
	[dreg:$0x2] =	wrdreg s3  }
0x21: {  	[dreg:$0x3] =	wrdreg s5  }
0x22: {  	[dreg:$0x4] =	wrdreg $0xC0  }
0x23: {  	_ =	task [dreg:s7], $0x5FFFF  }
0x24: {  	[dreg:$0x1] =	wrdreg $0xFFFFFFFF  }
0x25: {  	[dreg:$0x0] =	wrdreg $0x60  }
0x26: {  	[dreg:$0x2] =	wrdreg s25  }
0x27: {  	[dreg:$0x3] =	wrdreg s2  }
0x28: {  	[dreg:$0x4] =	wrdreg $0x9  }
0x29: {  	_ =	task.clear_ibuf [dreg:s7], $0x5FFFF;
	_ =	strace $0x90000049  }
0x2a: {  	s29 =	simm.s32 $0x9;
	_ =	strace $0x8000004B  }
0x2b: {  	_ =	swait.ge [sflag:s29], $0x1  }
0x2c: {  	[sflag:s29] =	ssyncadd.s32 $0xFFFFFFFF  }
0x2d: {  	_ =	strace $0x9000004B  }
0x2e: {  	_ =	sfence  }
0x2f: {  	s30 =	sld [smem:$0x0];
	_ =	sdelay $0x2  }
0x30: {  	s31 =	sshll.u32 s1, $0xD;
	s1 =	sshrl.u32 s1, $0x2  }
0x31: {  	s3 =	sand.u32 $0x4000, s31;
	s1 =	sadd.s32 s1, s30  }
0x32: {  	s0 =	sor.u32 s3, s0;
	s1 =	sshll.u32 s1, $0x11  }
0x33: {  	s0 =	sor.u32 s1, s0  }
0x34: {  	s0 =	sadd.s32 $0x8F2B, s0  }
0x35: {  	[sflag:s0] =	ssyncadd.remote.s32 $0x1  }
0x36: {  	_ =	sfence.sel $0xFFFF  }
0x37: {  	[dreg:$0x0] =	wrdreg $0xFFFFFFFF;
	(pc) =	sbr.abs _section_cstart, $3  }
0x38: {  	[dreg:$0x1] =	wrdreg $0xFFFFFFFF  }
0x39: {  	_ =	task.clear_ibuf [dreg:s7], $0x2FFFF;
	_ =	strace $0x9FFFFFFF  }
0x3a: {  	(tm) =	ssettm $0x7FFFFFFF  }
0x3b: {  	_ =	shalt  }
tec
execute0_lowered:
.L_overlay_start_1:
0x0: {  	(tag) =	ssettag $0x1  }
0x1: {  	s0 =	srdreg.scid  }
0x2: {  	s1 =	sshll.u32 s0, $0x4  }
0x3: {  	s0 =	stileid.u32;
	s1 =	sand.u32 $0x10, s1  }
0x4: {  	s1 =	sor.u32 s0, s1  }
0x5: {  	s6 =	rddreg [dreg:$0x0];
	s4 =	simm.s32 $0x1;
	s2 =	sshll.u32 s1, $0x7  }
0x6: {  	s7 =	simm.s32 $0x2;
	s12 =	simm.s32 $0x0;
	s1 =	ssub.s32 $0x4000, s2  }
0x7: {  	s8 =	simm.s32 $0x20000;
	s13 =	simm.s32 $0x0;
	s3 =	sand.u32 $0xF80, s1  }
0x8: {  	s9 =	simm.s32 $0x0;
	s5 =	sshrl.u32 s1, $0xC;
	p0 =	sne.s32 s3, $0x0  }
.Ltmp0:
0x9: {  	s1 =	rddreg [dreg:$0x2];
	s4 =	simm.s32 @!p0 $0x0;
	(pc) =	sbr.rel .LBB1_1-.Ltmp0, $4  }
0xa: {  	s11 =	simm.s32 $0x0;
	s3 =	rddreg [dreg:$0x1];
	s5 =	sadd.s32 s4, s5  }
0xb: {  	_ =	strace $0x8000004A;
	s4 =	simm.s32 $0x1;
	s5 =	smul.u32 $0x1A, s5  }
0xc: {  	s6 =	sadd.s32 $0x800, s6;
	s10 =	smov.u32 s2;
	[sflag:s4] =	ssyncpa.u1 $0x0  }
0xd: {  	p0 =	por $0x0, $0x0;
	[sflag:s7] =	ssyncpa.u1 $0x0;
	s7 =	sor.u32 $0x1, s5  }
.LBB1_4:
0xe: {  	s16 =	sshll.u32 s13, $0x3;
	s17 =	sand.u32 $0x78, s13  }
0xf: {  	s30 =	sand.u32 $0xF800, s13;
	s12 =	sshll.u32 s12, $0x10;
	s16 =	sand.u32 $0x3C00, s16  }
0x10: {  	s31 =	sand.u32 $0x7, s13;
	s16 =	sor.u32 s17, s16;
	s17 =	sadd.s32 s3, s30  }
0x11: {  	s13 =	sshll.u32 s31, $0x12;
	s16 =	sshrl.u32 s16, $0x3;
	s12 =	sadd.s32 s12, s17  }
0x12: {  	[tilespmem:s15+$0x0 ss:$0x81] =	vst.msk $0xffff, v0;
	s13 =	sor.u32 $0x400, s13;
	s12 =	sadd.s32 s16, s12  }
0x13: {  	[hbm4b:s12+s13] =	stream.strided.scatter [tilespmem:s14], [sflag:$0x2], $0x1000, s8, s13, $0x20;
	[tilespmem:$0x4040] =	vst v63  }
.LBB1_5:
0x14: {  	s14 =	sadd.s32 $0x1, s9  }
0x15: {  	s12 =	sadd.s32 $0x1000, s10;
	s16 =	smov.u32 s10;
	p2 =	sgt.s32 s14, $0x19  }
0x16: {  	s16 =	smov.u32 @p2 s12  }
0x17: {  	s14 =	simm.s32 @p2 $0x0;
	p2 =	sgt.s32 s16, $0x3FFF  }
0x18: {  	s16 =	smov.u32 @p2 s2;
	p2 =	sne.s32 s11, s7  }
.Ltmp1:
0x19: {  	p1 =	slt.u32 s11, $0x2;
	(pc) =	sbr.rel @!p2 .LBB1_6-.Ltmp1, $4  }
0x1a: {  	s15 =	simm.s32 @!p1 $0x2  }
0x1b: {  	s13 =	smov.u32 s10;
	p0 =	por !p0, !p0;
	_ =	swait.ge @!p1 [sflag:s15], $0x1000  }
0x1c: {  	s12 =	smov.u32 s9;
	[sflag:s15] =	ssyncset.done @!p1 $0x0;
	s9 =	smov.u32 s14  }
0x1d: {  	s11 =	sadd.s32 $0x1, s11;
	[sflag:s15] =	ssyncadd.s32 @!p1 $0xFFFFF000;
	s10 =	smov.u32 s16  }
.LBB1_1:
0x1e: {  	p1 =	sge.u32 s11, s5  }
0x1f: {  	s31 =	sadd.s32 $0xFFFFFFFF, s11;
	s14 =	sxor.u32 @!p1 $0xFFFFFFFF, s11  }
0x20: {  	s15 =	sshll.u32 @!p1 s10, $0x9;
	s16 =	sshll.u32 @!p1 s9, $0x4;
	s17 =	simm.s32 @!p1 $0x1000  }
0x21: {  	s14 =	sshll.u32 @!p1 s14, $0xC;
	s16 =	sand.u32 @!p1 $0x1F0, s16;
	s15 =	sadd.s32 @!p1 s6, s15  }
0x22: {  	s14 =	sand.u32 @!p1 $0x1000, s14;
	s15 =	sadd.s32 @!p1 s16, s15;
	s16 =	simm.s32 @!p1 $0x20  }
0x23: {  	[tilespmem:s14], [sflag:$0x1] =	stream.strided.gather @!p1 [hbm4b:s15+s16], $0x1000, s17, s16, $0x38;
	[tilespmem:$0x4040] =	vst v63  }
0x24: {  	p1 =	sge.u32 s31, s5  }
.Ltmp2:
0x25: {  	_ = 	snop;
	(pc) =	sbr.rel @p1 .LBB1_5-.Ltmp2, $1  }
0x26: {  	_ =	sdelay $0x3  }
0x27: {  	s14 =	simm.s32 $0x1  }
0x28: {  	_ =	swait.ge [sflag:s4], $0x1000;
	s14 =	simm.s32 @!p0 $0x0  }
0x29: {  	[sflag:s4] =	ssyncset.done $0x0;
	s15 =	sshll.u32 s14, $0xC  }
0x2a: {  	[sflag:s4] =	ssyncadd.s32 $0xFFFFF000;
	s18 =	sor.u32 $0x10, s15  }
0x2b: {  	s14 =	smul.u32 $0x4080, s14;
	v1 =	vld [tilespmem:s18+$0x0]  }
0x2c: {  	s30 =	sand.u32 $0x1, s11;
	v0 =	vld [tilespmem:s18+$0xFFFFFFF0]  }
0x2d: {  	s15 =	smul.u32 $0x4080, s30;
	s14 =	sshrl.u32 s14, $0x2  }
0x2e: {  	s16 =	sor.u32 $0x2000, s14  }
0x2f: {  	s31 =	sshrl.u32 s15, $0x2;
	s15 =	sadd.s32 $0x0, s16  }
0x30: {  	s17 =	simm.s32 $0x4;
	s18 =	sadd.s32 $0x20, s18;
	s14 =	sor.u32 $0x2000, s31;
	[tilespmem:s15+$0x810 ss:$0x81] =	vst.msk $0xffff, v1  }
.LBB1_3:
0x31: {  	v1 =	vld [tilespmem:s18+$0x0];
	p1 =	sne.s32 s17, $0x1FC;
	[tilespmem:s15+$0x0 ss:$0x81] =	vst.msk $0xffff, v0;
	s15 =	smov.u32 s17;
	s17 =	sadd.s32 $0x4, s17  }
.Ltmp3:
0x32: {  	v0 =	vld [tilespmem:s18+$0xFFFFFFF0];
	(pc) =	sbr.rel @p1 .LBB1_3-.Ltmp3, $4  }
0x33: {  	_ = 	snop  }
0x34: {  	s15 =	sshra.s32 s15, $0x2  }
0x35: {  	s15 =	sadd.s32 s15, s16  }
0x36: {  	s18 =	sadd.s32 $0x20, s18;
	[tilespmem:s15+$0x810 ss:$0x81] =	vst.msk $0xffff, v1  }
.Ltmp4:
0x37: {  	_ = 	snop;
	(pc) =	sbr.rel .LBB1_4-.Ltmp4, $1  }
0x38: {  	_ =	sdelay $0x3  }
.LBB1_6:
0x39: {  	_ =	sfence.sel $0x180000  }
0x3a: {  	s2 =	simm.s32 $0x1;
	[bflag:$0x0] =	sbarrier.arrive $0xFFFF  }
0x3b: {  	s31 =	simm.s32 $0x2;
	[sflag:s2] =	ssyncpa.u1 $0x1  }
0x3c: {  	[sflag:s31] =	ssyncpa.u1 $0x1  }
0x3d: {  	p0 =	sne.s32 s0, $0x0;
	_ =	strace $0x9000004A  }
0x3e: {  	s0 =	sadd.s32 @!p0 $0x100000, s1;
	[bflag:$0x2] =	sbarrier.arrive $0xFFFF  }
0x3f: {  	[sflag:s0] =	ssyncadd.tile.s32 @!p0 $0x1;
	_ =	shalt  }
.Lfunc_end1:
_tile_overlayer_lowered:
.L_overlay_start_2:
0x40: {  	(tag) =	ssettag $0x2  }
0x41: {  	s0 =	rddreg [dreg:$0x0];
	s2 =	stileid.u32  }
0x42: {  	s1 =	rddreg [dreg:$0x1];
	p0 =	sne.s32 s2, $0x0  }
0x43: {  	s3 =	rddreg [dreg:$0x2];
	[bflag:$0x3] =	sbarrier.arrive $0xFFFF;
	s2 =	simm.s32 @!p0 $0x1C01  }
0x44: {  	[timem:s3], [sflag:s2] =	dma.local @!p0 [hbm:s0], s1  }
0x45: {  	s0 =	simm.s32 @!p0 $0x1  }
0x46: {  	_ =	swait.ge @!p0 [sflag:s0], s1  }
0x47: {  	s1 =	ssub.s32 @!p0 $0x0, s1;
	[sflag:s0] =	ssyncset.done @!p0 $0x0  }
0x48: {  	[sflag:s0] =	ssyncadd.s32 @!p0 s1  }
0x49: {  	[bflag:$0x3] =	sbarrier.arrive $0xFFFF  }
0x4a: {  	_ =	shalt  }

</sc_bundles>
